<compile_context>
chip_gen: v7x
topology: tpu7x:2x2x1
jax: 0.10.2.dev20260603
libtpu: 0.0.44.dev20260713+nightly
codegen_flags: <defaults>
</compile_context>

<pallas_src>
import functools

import jax
import jax.numpy as jnp
from jax import lax
from jax.experimental import pallas as pl
from jax.experimental.pallas import tpu as pltpu
from jax.experimental.pallas import tpu_sc as plsc

_NC = 2
_NS = 16
_L = 16
_NW = _NC * _NS

_S1 = 16384
_D1 = 2048
_D2 = 512
_F = 128

_SRC_PER_W = _S1 // _NW
_DST_PER_W = _D1 // _NW


def _sc_gather_body(raw_hbm, nodes_hbm, d2s1_hbm, d2d1_hbm,
                    src1_out, dst1_out,
                    nodes_v, d2s1_v, idxs_v, rows_v,
                    d2d1_v, idxd_v, rowsd_v, sem, wsem):
    c = lax.axis_index("c")
    s = lax.axis_index("s")
    wid = s * _NC + c
    base = wid * _SRC_PER_W
    based = wid * _DST_PER_W

    stage = [
        pltpu.async_copy(nodes_hbm, nodes_v, sem),
        pltpu.async_copy(d2s1_hbm.at[pl.ds(base, _SRC_PER_W)], d2s1_v, sem),
        pltpu.async_copy(d2d1_hbm.at[pl.ds(based, _DST_PER_W)], d2d1_v, sem),
    ]
    for cp in stage:
        cp.wait()

    for i in range(_SRC_PER_W // _L):
        j = d2s1_v[pl.ds(i * _L, _L)]
        composed = plsc.load_gather(nodes_v, [j])
        idxs_v[i // 8, pl.ds((i % 8) * _L, _L)] = composed
    for i in range(_DST_PER_W // _L):
        j = d2d1_v[pl.ds(i * _L, _L)]
        idxd_v[pl.ds(i * _L, _L)] = plsc.load_gather(nodes_v, [j])

    gathers = [
        pltpu.async_copy(raw_hbm.at[idxs_v.at[cc]],
                         rows_v.at[pl.ds(cc * 128, 128)], sem)
        for cc in range(_SRC_PER_W // 128)
    ]
    gathers.append(pltpu.async_copy(raw_hbm.at[idxd_v], rowsd_v, sem))
    writes = []
    for cc, cp in enumerate(gathers[:-1]):
        cp.wait()
        writes.append(pltpu.async_copy(
            rows_v.at[pl.ds(cc * 128, 128)],
            src1_out.at[pl.ds(base + cc * 128, 128)], wsem))
    gathers[-1].wait()
    writes.append(pltpu.async_copy(
        rowsd_v, dst1_out.at[pl.ds(based, _DST_PER_W)], wsem))
    for cp in writes:
        cp.wait()


def _sc_gather(raw_features, src_nodes, dstsrc2src1, dstsrc2dst1):
    mesh = plsc.VectorSubcoreMesh(core_axis_name="c", subcore_axis_name="s")
    k = pl.kernel(
        _sc_gather_body,
        out_type=(
            jax.ShapeDtypeStruct((_S1, _F), jnp.float32),
            jax.ShapeDtypeStruct((_D1, _F), jnp.float32),
        ),
        mesh=mesh,
        scratch_types=[
            pltpu.VMEM((_S1,), jnp.int32),
            pltpu.VMEM((_SRC_PER_W,), jnp.int32),
            pltpu.VMEM((_SRC_PER_W // 128, 128), jnp.int32),
            pltpu.VMEM((_SRC_PER_W, _F), jnp.float32),
            pltpu.VMEM((_DST_PER_W,), jnp.int32),
            pltpu.VMEM((_DST_PER_W,), jnp.int32),
            pltpu.VMEM((_DST_PER_W, _F), jnp.float32),
            pltpu.SemaphoreType.DMA,
            pltpu.SemaphoreType.DMA,
        ],
        compiler_params=pltpu.CompilerParams(needs_layout_passes=False),
    )
    return k(raw_features, src_nodes, dstsrc2src1, dstsrc2dst1)


_MB = 128
_NM = _D1 // _MB


def _tc_body(d2s2_ref, d2d2_ref, dif1_ref, src1_ref, dst1_ref, dif2_ref,
             wt_ref, wb_ref, W1_ref, b1_ref, W2_ref, b2_ref, W3_ref, b3_ref,
             out_ref, src1b_ref, dif2b_ref, agg2_ref, dst2_ref):
    m = pl.program_id(0)
    f32 = jnp.float32
    bf16 = jnp.bfloat16

    @pl.when(m == 0)
    def _init():
        src1b_ref[...] = src1_ref[...].astype(bf16)
        dif2b_ref[...] = dif2_ref[...].astype(bf16)
        agg2_ref[...] = jnp.zeros_like(agg2_ref)
        dst2_ref[...] = jnp.zeros_like(dst2_ref)

    agg1 = jnp.dot(dif1_ref[...].astype(bf16), src1b_ref[...],
                   preferred_element_type=f32)
    h1_blk = (jnp.dot(agg1, wt_ref[...], preferred_element_type=f32)
              + jnp.dot(dst1_ref[...], wb_ref[...],
                        preferred_element_type=f32))
    h1b = h1_blk.astype(bf16)
    col = lax.broadcasted_iota(jnp.int32, (_D1, _MB), 1) + m * _MB
    oh_s = (col == d2s2_ref[...]).astype(bf16)
    t = jnp.dot(dif2b_ref[...], oh_s, preferred_element_type=f32)
    agg2_ref[...] += jnp.dot(t.astype(bf16), h1b,
                             preferred_element_type=f32)
    cold = lax.broadcasted_iota(jnp.int32, (_D2, _MB), 1) + m * _MB
    oh_d = (cold == d2d2_ref[...]).astype(bf16)
    dst2_ref[...] += jnp.dot(oh_d, h1b, preferred_element_type=f32)

    @pl.when(m == _NM - 1)
    def _tail():
        h2 = (jnp.dot(agg2_ref[...], wt_ref[...], preferred_element_type=f32)
              + jnp.dot(dst2_ref[...], wb_ref[...],
                        preferred_element_type=f32))
        nrm = jnp.sqrt(jnp.maximum(
            jnp.sum(h2 * h2, axis=1, keepdims=True), 1e-12))
        emb = h2 / nrm
        h = jnp.maximum(
            jnp.dot(emb, W1_ref[...], preferred_element_type=f32)
            + b1_ref[...], 0.0)
        h = jnp.maximum(
            jnp.dot(h, W2_ref[...], preferred_element_type=f32)
            + b2_ref[...], 0.0)
        out_ref[...] = (jnp.dot(h, W3_ref[...], preferred_element_type=f32)
                        + b3_ref[...])


def _tc_compute(d2s2, d2d2, dif_mat1, src1, dst1, dif_mat2,
                wt, wb, W1, b1, W2, b2, W3, b3, interpret=False):
    whole = lambda shape: pl.BlockSpec(shape, lambda m: (0, 0))
    return pl.pallas_call(
        _tc_body,
        grid=(_NM,),
        in_specs=[
            whole((_D1, 1)),
            whole((_D2, 1)),
            pl.BlockSpec((_MB, _S1), lambda m: (m, 0)),
            whole((_S1, _F)),
            pl.BlockSpec((_MB, _F), lambda m: (m, 0)),
            whole((_D2, _D1)),
            whole((_F, _F)),
            whole((_F, _F)),
            whole((_F, 64)),
            whole((1, 64)),
            whole((64, 64)),
            whole((1, 64)),
            whole((64, 8)),
            whole((1, 8)),
        ],
        out_specs=pl.BlockSpec((_D2, 8), lambda m: (0, 0)),
        out_shape=jax.ShapeDtypeStruct((_D2, 8), jnp.float32),
        scratch_shapes=[
            pltpu.VMEM((_S1, _F), jnp.bfloat16),
            pltpu.VMEM((_D2, _D1), jnp.bfloat16),
            pltpu.VMEM((_D2, _F), jnp.float32),
            pltpu.VMEM((_D2, _F), jnp.float32),
        ],
        compiler_params=pltpu.CompilerParams(
            dimension_semantics=("arbitrary",),
            vmem_limit_bytes=112 * 1024 * 1024),
        interpret=interpret,
    )(d2s2, d2d2, dif_mat1, src1, dst1, dif_mat2,
      wt, wb, W1, b1, W2, b2, W3, b3)


@jax.jit
def kernel(raw_features, src_nodes, dstsrc2src1, dstsrc2dst1, dif_mat1,
           dstsrc2src2, dstsrc2dst2, dif_mat2, w_agg, W1, b1, W2, b2, W3, b3):
    src1, dst1 = _sc_gather(raw_features, src_nodes, dstsrc2src1, dstsrc2dst1)
    return _tc_compute(
        dstsrc2src2.reshape(_D1, 1), dstsrc2dst2.reshape(_D2, 1),
        dif_mat1, src1, dst1, dif_mat2,
        w_agg[:_F], w_agg[_F:], W1, b1.reshape(1, 64),
        W2, b2.reshape(1, 64), W3, b3.reshape(1, 8))

# --- scband reference (transcript-rebuilt; emitter-appended) ---
"""Pipeline reference for scband-graphsage-27273042329874 (READ-ONLY COPY).

The authoritative reference and input builder live on the scoring server;
editing this copy changes nothing except your own understanding.
"""

import jax, jax.numpy as jnp
import numpy as np


def setup_inputs(seed: int = 0) -> dict:
    key = jax.random.key(seed)
    ks = jax.random.split(key, 16)
    inp = {}
    # raw node feature table (init arg raw_features) and sampled minibatch mappings
    inp["raw_features"] = jax.random.normal(ks[0], (100000, 128), dtype=jnp.float32)
    inp["src_nodes"] = jax.random.randint(ks[1], (16384,), 0, 100000, dtype=jnp.int32)
    inp["dstsrc2src1"] = jax.random.randint(ks[2], (16384,), 0, 16384, dtype=jnp.int32)
    inp["dstsrc2dst1"] = jax.random.randint(ks[3], (2048,), 0, 16384, dtype=jnp.int32)
    inp["dif_mat1"] = jax.random.uniform(ks[4], (2048, 16384), dtype=jnp.float32) * (1.0 / 16384.0)
    inp["dstsrc2src2"] = jax.random.randint(ks[5], (2048,), 0, 2048, dtype=jnp.int32)
    inp["dstsrc2dst2"] = jax.random.randint(ks[6], (512,), 0, 2048, dtype=jnp.int32)
    inp["dif_mat2"] = jax.random.uniform(ks[7], (512, 2048), dtype=jnp.float32) * (1.0 / 2048.0)
    # learned parameters: shared MeanAggregator weight (agg_ly1 reused twice) + dense head
    inp["w_agg"] = jax.random.normal(ks[8], (256, 128), dtype=jnp.float32) * (6.0 / (256 + 128)) ** 0.5
    inp["W1"] = jax.random.normal(ks[9], (128, 64), dtype=jnp.float32) * 0.08
    inp["b1"] = jnp.zeros((64,), dtype=jnp.float32)
    inp["W2"] = jax.random.normal(ks[10], (64, 64), dtype=jnp.float32) * 0.12
    inp["b2"] = jnp.zeros((64,), dtype=jnp.float32)
    inp["W3"] = jax.random.normal(ks[11], (64, 8), dtype=jnp.float32) * 0.12
    inp["b3"] = jnp.zeros((8,), dtype=jnp.float32)
    return inp


def _mean_agg(x, dstsrc2src, dstsrc2dst, dif_mat, w):
    # MeanAggregator.call (activ=False in graphsage since agg_ly1 is used for both hops)
    dst_features = jnp.take(x, dstsrc2dst, axis=0)
    src_features = jnp.take(x, dstsrc2src, axis=0)
    aggregated = dif_mat @ src_features
    concatenated = jnp.concatenate([aggregated, dst_features], axis=1)
    return concatenated @ w


def reference(raw_features, src_nodes, dstsrc2src1, dstsrc2dst1, dif_mat1,
              dstsrc2src2, dstsrc2dst2, dif_mat2, w_agg, W1, b1, W2, b2, W3, b3):
    # RawFeature: gather rows of the feature table
    x = jnp.take(raw_features, src_nodes, axis=0)
    # agg_ly1 applied twice (as in the original forward)
    x = _mean_agg(x, dstsrc2src1, dstsrc2dst1, dif_mat1, w_agg)
    x = _mean_agg(x, dstsrc2src2, dstsrc2dst2, dif_mat2, w_agg)
    # tf.math.l2_normalize(x, 1)
    norm = jnp.sqrt(jnp.maximum(jnp.sum(x * x, axis=1, keepdims=True), 1e-12))
    emb = x / norm
    # dense head
    h = jax.nn.relu(emb @ W1 + b1)
    h = jax.nn.relu(h @ W2 + b2)
    out = h @ W3 + b3
    return out

if __name__ == "__main__":
    import jax
    _d = setup_inputs()
    print(jax.jit(kernel)(*tuple(_d.values())))

</pallas_src>

<mosaic_0001>
#map = affine_map<(d0, d1) -> (0, 0)>
#map1 = affine_map<(d0, d1) -> (0)>
module attributes {stable_mosaic.version = 14 : i64} {
  func.func @_sc_gather_body(%arg0: i32, %arg1: i32, %arg2: memref<100000x128xf32, #tpu.memory_space<hbm>>, %arg3: memref<16384xi32, #tpu.memory_space<hbm>>, %arg4: memref<16384xi32, #tpu.memory_space<hbm>>, %arg5: memref<2048xi32, #tpu.memory_space<hbm>>, %arg6: memref<16384x128xf32, #tpu.memory_space<hbm>>, %arg7: memref<2048x128xf32, #tpu.memory_space<hbm>>, %arg8: memref<16384xi32, #tpu.memory_space<vmem>>, %arg9: memref<512xi32, #tpu.memory_space<vmem>>, %arg10: memref<4x128xi32, #tpu.memory_space<vmem>>, %arg11: memref<512x128xf32, #tpu.memory_space<vmem>>, %arg12: memref<64xi32, #tpu.memory_space<vmem>>, %arg13: memref<64xi32, #tpu.memory_space<vmem>>, %arg14: memref<64x128xf32, #tpu.memory_space<vmem>>, %arg15: memref<!tpu.dma_semaphore, #tpu.memory_space<semaphore_mem>>, %arg16: memref<!tpu.dma_semaphore, #tpu.memory_space<semaphore_mem>>) attributes {dimension_semantics = [#tpu.dimension_semantics<core_parallel>, #tpu.dimension_semantics<subcore_parallel>], iteration_bounds = array<i64: 2, 16>, scalar_prefetch = 0 : i64, scratch_operands = 9 : i64, tpu.core_type = #tpu.core_type<sc_vector_subcore>, window_params = [{transform_indices = #map}, {transform_indices = #map1}, {transform_indices = #map1}, {transform_indices = #map1}, {transform_indices = #map}, {transform_indices = #map}]} {
    %mul3A = arith.constant 2 : i32
    %mul3A_0 = arith.muli %arg1, %mul3A : i32
    %add3A = arith.addi %mul3A_0, %arg0 : i32
    %mul3A_1 = arith.constant 512 : i32
    %mul3A_2 = arith.muli %add3A, %mul3A_1 : i32
    %mul3A_3 = arith.constant 64 : i32
    %mul3A_4 = arith.muli %add3A, %mul3A_3 : i32
    tpu.enqueue_dma source(%arg3 : memref<16384xi32, #tpu.memory_space<hbm>>) target(%arg8 : memref<16384xi32, #tpu.memory_space<vmem>>) target_semaphore(%arg15 : memref<!tpu.dma_semaphore, #tpu.memory_space<semaphore_mem>>)
    %dma_start3A = tpu.memref_slice %arg4[%mul3A_2] : memref<16384xi32, #tpu.memory_space<hbm>> -> memref<512xi32, #tpu.memory_space<hbm>>
    %dma_start3A_5 = tpu.memref_slice %arg4[%mul3A_2] : memref<16384xi32, #tpu.memory_space<hbm>> -> memref<512xi32, #tpu.memory_space<hbm>>
    tpu.enqueue_dma source(%dma_start3A_5 : memref<512xi32, #tpu.memory_space<hbm>>) target(%arg9 : memref<512xi32, #tpu.memory_space<vmem>>) target_semaphore(%arg15 : memref<!tpu.dma_semaphore, #tpu.memory_space<semaphore_mem>>)
    %dma_start3A_6 = tpu.memref_slice %arg5[%mul3A_4] : memref<2048xi32, #tpu.memory_space<hbm>> -> memref<64xi32, #tpu.memory_space<hbm>>
    %dma_start3A_7 = tpu.memref_slice %arg5[%mul3A_4] : memref<2048xi32, #tpu.memory_space<hbm>> -> memref<64xi32, #tpu.memory_space<hbm>>
    tpu.enqueue_dma source(%dma_start3A_7 : memref<64xi32, #tpu.memory_space<hbm>>) target(%arg12 : memref<64xi32, #tpu.memory_space<vmem>>) target_semaphore(%arg15 : memref<!tpu.dma_semaphore, #tpu.memory_space<semaphore_mem>>)
    tpu.wait_dma2 semaphore(%arg15 : memref<!tpu.dma_semaphore, #tpu.memory_space<semaphore_mem>>) src(%arg3 : memref<16384xi32, #tpu.memory_space<hbm>>) dst(%arg8 : memref<16384xi32, #tpu.memory_space<vmem>>)
    %dma_wait3A = tpu.memref_slice %arg4[%mul3A_2] : memref<16384xi32, #tpu.memory_space<hbm>> -> memref<512xi32, #tpu.memory_space<hbm>>
    %dma_wait3A_8 = tpu.memref_slice %arg4[%mul3A_2] : memref<16384xi32, #tpu.memory_space<hbm>> -> memref<512xi32, #tpu.memory_space<hbm>>
    tpu.wait_dma2 semaphore(%arg15 : memref<!tpu.dma_semaphore, #tpu.memory_space<semaphore_mem>>) src(%dma_wait3A_8 : memref<512xi32, #tpu.memory_space<hbm>>) dst(%arg9 : memref<512xi32, #tpu.memory_space<vmem>>)
    %dma_wait3A_9 = tpu.memref_slice %arg5[%mul3A_4] : memref<2048xi32, #tpu.memory_space<hbm>> -> memref<64xi32, #tpu.memory_space<hbm>>
    %dma_wait3A_10 = tpu.memref_slice %arg5[%mul3A_4] : memref<2048xi32, #tpu.memory_space<hbm>> -> memref<64xi32, #tpu.memory_space<hbm>>
    tpu.wait_dma2 semaphore(%arg15 : memref<!tpu.dma_semaphore, #tpu.memory_space<semaphore_mem>>) src(%dma_wait3A_10 : memref<64xi32, #tpu.memory_space<hbm>>) dst(%arg12 : memref<64xi32, #tpu.memory_space<vmem>>)
    %get3A = arith.constant 0 : index
    %get3A_11 = tpu.vector_load %arg9[%get3A] {strides = array<i32>} : memref<512xi32, #tpu.memory_space<vmem>>, vector<16xi32>,
    %gather3A = tpu.vector_load_idx %arg8[%get3A_11] : memref<16384xi32, #tpu.memory_space<vmem>>[vector<16xi32>], vector<16xi32>,
    %swap3A = arith.constant 0 : i32
    %swap3A_12 = arith.index_cast %swap3A : i32 to index
    %swap3A_13 = arith.constant 0 : index
    %swap3A_14 = tpu.vector_load %arg10[%swap3A_12, %swap3A_13] {strides = array<i32>} : memref<4x128xi32, #tpu.memory_space<vmem>>, vector<16xi32>,
    tpu.vector_store %arg10[%swap3A_12, %swap3A_13], %gather3A {strides = array<i32>} : memref<4x128xi32, #tpu.memory_space<vmem>>, vector<16xi32>,
    %get3A_15 = arith.constant 16 : index
    %get3A_16 = tpu.vector_load %arg9[%get3A_15] {strides = array<i32>} : memref<512xi32, #tpu.memory_space<vmem>>, vector<16xi32>,
    %gather3A_17 = tpu.vector_load_idx %arg8[%get3A_16] : memref<16384xi32, #tpu.memory_space<vmem>>[vector<16xi32>], vector<16xi32>,
    %swap3A_18 = arith.constant 0 : i32
    %swap3A_19 = arith.index_cast %swap3A_18 : i32 to index
    %swap3A_20 = arith.constant 16 : index
    %swap3A_21 = tpu.vector_load %arg10[%swap3A_19, %swap3A_20] {strides = array<i32>} : memref<4x128xi32, #tpu.memory_space<vmem>>, vector<16xi32>,
    tpu.vector_store %arg10[%swap3A_19, %swap3A_20], %gather3A_17 {strides = array<i32>} : memref<4x128xi32, #tpu.memory_space<vmem>>, vector<16xi32>,
    %get3A_22 = arith.constant 32 : index
    %get3A_23 = tpu.vector_load %arg9[%get3A_22] {strides = array<i32>} : memref<512xi32, #tpu.memory_space<vmem>>, vector<16xi32>,
    %gather3A_24 = tpu.vector_load_idx %arg8[%get3A_23] : memref<16384xi32, #tpu.memory_space<vmem>>[vector<16xi32>], vector<16xi32>,
    %swap3A_25 = arith.constant 0 : i32
    %swap3A_26 = arith.index_cast %swap3A_25 : i32 to index
    %swap3A_27 = arith.constant 32 : index
    %swap3A_28 = tpu.vector_load %arg10[%swap3A_26, %swap3A_27] {strides = array<i32>} : memref<4x128xi32, #tpu.memory_space<vmem>>, vector<16xi32>,
    tpu.vector_store %arg10[%swap3A_26, %swap3A_27], %gather3A_24 {strides = array<i32>} : memref<4x128xi32, #tpu.memory_space<vmem>>, vector<16xi32>,
    %get3A_29 = arith.constant 48 : index
    %get3A_30 = tpu.vector_load %arg9[%get3A_29] {strides = array<i32>} : memref<512xi32, #tpu.memory_space<vmem>>, vector<16xi32>,
    %gather3A_31 = tpu.vector_load_idx %arg8[%get3A_30] : memref<16384xi32, #tpu.memory_space<vmem>>[vector<16xi32>], vector<16xi32>,
    %swap3A_32 = arith.constant 0 : i32
    %swap3A_33 = arith.index_cast %swap3A_32 : i32 to index
    %swap3A_34 = arith.constant 48 : index
    %swap3A_35 = tpu.vector_load %arg10[%swap3A_33, %swap3A_34] {strides = array<i32>} : memref<4x128xi32, #tpu.memory_space<vmem>>, vector<16xi32>,
    tpu.vector_store %arg10[%swap3A_33, %swap3A_34], %gather3A_31 {strides = array<i32>} : memref<4x128xi32, #tpu.memory_space<vmem>>, vector<16xi32>,
    %get3A_36 = arith.constant 64 : index
    %get3A_37 = tpu.vector_load %arg9[%get3A_36] {strides = array<i32>} : memref<512xi32, #tpu.memory_space<vmem>>, vector<16xi32>,
    %gather3A_38 = tpu.vector_load_idx %arg8[%get3A_37] : memref<16384xi32, #tpu.memory_space<vmem>>[vector<16xi32>], vector<16xi32>,
    %swap3A_39 = arith.constant 0 : i32
    %swap3A_40 = arith.index_cast %swap3A_39 : i32 to index
    %swap3A_41 = arith.constant 64 : index
    %swap3A_42 = tpu.vector_load %arg10[%swap3A_40, %swap3A_41] {strides = array<i32>} : memref<4x128xi32, #tpu.memory_space<vmem>>, vector<16xi32>,
    tpu.vector_store %arg10[%swap3A_40, %swap3A_41], %gather3A_38 {strides = array<i32>} : memref<4x128xi32, #tpu.memory_space<vmem>>, vector<16xi32>,
    %get3A_43 = arith.constant 80 : index
    %get3A_44 = tpu.vector_load %arg9[%get3A_43] {strides = array<i32>} : memref<512xi32, #tpu.memory_space<vmem>>, vector<16xi32>,
    %gather3A_45 = tpu.vector_load_idx %arg8[%get3A_44] : memref<16384xi32, #tpu.memory_space<vmem>>[vector<16xi32>], vector<16xi32>,
    %swap3A_46 = arith.constant 0 : i32
    %swap3A_47 = arith.index_cast %swap3A_46 : i32 to index
    %swap3A_48 = arith.constant 80 : index
    %swap3A_49 = tpu.vector_load %arg10[%swap3A_47, %swap3A_48] {strides = array<i32>} : memref<4x128xi32, #tpu.memory_space<vmem>>, vector<16xi32>,
    tpu.vector_store %arg10[%swap3A_47, %swap3A_48], %gather3A_45 {strides = array<i32>} : memref<4x128xi32, #tpu.memory_space<vmem>>, vector<16xi32>,
    %get3A_50 = arith.constant 96 : index
    %get3A_51 = tpu.vector_load %arg9[%get3A_50] {strides = array<i32>} : memref<512xi32, #tpu.memory_space<vmem>>, vector<16xi32>,
    %gather3A_52 = tpu.vector_load_idx %arg8[%get3A_51] : memref<16384xi32, #tpu.memory_space<vmem>>[vector<16xi32>], vector<16xi32>,
    %swap3A_53 = arith.constant 0 : i32
    %swap3A_54 = arith.index_cast %swap3A_53 : i32 to index
    %swap3A_55 = arith.constant 96 : index
    %swap3A_56 = tpu.vector_load %arg10[%swap3A_54, %swap3A_55] {strides = array<i32>} : memref<4x128xi32, #tpu.memory_space<vmem>>, vector<16xi32>,
    tpu.vector_store %arg10[%swap3A_54, %swap3A_55], %gather3A_52 {strides = array<i32>} : memref<4x128xi32, #tpu.memory_space<vmem>>, vector<16xi32>,
    %get3A_57 = arith.constant 112 : index
    %get3A_58 = tpu.vector_load %arg9[%get3A_57] {strides = array<i32>} : memref<512xi32, #tpu.memory_space<vmem>>, vector<16xi32>,
    %gather3A_59 = tpu.vector_load_idx %arg8[%get3A_58] : memref<16384xi32, #tpu.memory_space<vmem>>[vector<16xi32>], vector<16xi32>,
    %swap3A_60 = arith.constant 0 : i32
    %swap3A_61 = arith.index_cast %swap3A_60 : i32 to index
    %swap3A_62 = arith.constant 112 : index
    %swap3A_63 = tpu.vector_load %arg10[%swap3A_61, %swap3A_62] {strides = array<i32>} : memref<4x128xi32, #tpu.memory_space<vmem>>, vector<16xi32>,
    tpu.vector_store %arg10[%swap3A_61, %swap3A_62], %gather3A_59 {strides = array<i32>} : memref<4x128xi32, #tpu.memory_space<vmem>>, vector<16xi32>,
    %get3A_64 = arith.constant 128 : index
    %get3A_65 = tpu.vector_load %arg9[%get3A_64] {strides = array<i32>} : memref<512xi32, #tpu.memory_space<vmem>>, vector<16xi32>,
    %gather3A_66 = tpu.vector_load_idx %arg8[%get3A_65] : memref<16384xi32, #tpu.memory_space<vmem>>[vector<16xi32>], vector<16xi32>,
    %swap3A_67 = arith.constant 1 : i32
    %swap3A_68 = arith.index_cast %swap3A_67 : i32 to index
    %swap3A_69 = arith.constant 0 : index
    %swap3A_70 = tpu.vector_load %arg10[%swap3A_68, %swap3A_69] {strides = array<i32>} : memref<4x128xi32, #tpu.memory_space<vmem>>, vector<16xi32>,
    tpu.vector_store %arg10[%swap3A_68, %swap3A_69], %gather3A_66 {strides = array<i32>} : memref<4x128xi32, #tpu.memory_space<vmem>>, vector<16xi32>,
    %get3A_71 = arith.constant 144 : index
    %get3A_72 = tpu.vector_load %arg9[%get3A_71] {strides = array<i32>} : memref<512xi32, #tpu.memory_space<vmem>>, vector<16xi32>,
    %gather3A_73 = tpu.vector_load_idx %arg8[%get3A_72] : memref<16384xi32, #tpu.memory_space<vmem>>[vector<16xi32>], vector<16xi32>,
    %swap3A_74 = arith.constant 1 : i32
    %swap3A_75 = arith.index_cast %swap3A_74 : i32 to index
    %swap3A_76 = arith.constant 16 : index
    %swap3A_77 = tpu.vector_load %arg10[%swap3A_75, %swap3A_76] {strides = array<i32>} : memref<4x128xi32, #tpu.memory_space<vmem>>, vector<16xi32>,
    tpu.vector_store %arg10[%swap3A_75, %swap3A_76], %gather3A_73 {strides = array<i32>} : memref<4x128xi32, #tpu.memory_space<vmem>>, vector<16xi32>,
    %get3A_78 = arith.constant 160 : index
    %get3A_79 = tpu.vector_load %arg9[%get3A_78] {strides = array<i32>} : memref<512xi32, #tpu.memory_space<vmem>>, vector<16xi32>,
    %gather3A_80 = tpu.vector_load_idx %arg8[%get3A_79] : memref<16384xi32, #tpu.memory_space<vmem>>[vector<16xi32>], vector<16xi32>,
    %swap3A_81 = arith.constant 1 : i32
    %swap3A_82 = arith.index_cast %swap3A_81 : i32 to index
    %swap3A_83 = arith.constant 32 : index
    %swap3A_84 = tpu.vector_load %arg10[%swap3A_82, %swap3A_83] {strides = array<i32>} : memref<4x128xi32, #tpu.memory_space<vmem>>, vector<16xi32>,
    tpu.vector_store %arg10[%swap3A_82, %swap3A_83], %gather3A_80 {strides = array<i32>} : memref<4x128xi32, #tpu.memory_space<vmem>>, vector<16xi32>,
    %get3A_85 = arith.constant 176 : index
    %get3A_86 = tpu.vector_load %arg9[%get3A_85] {strides = array<i32>} : memref<512xi32, #tpu.memory_space<vmem>>, vector<16xi32>,
    %gather3A_87 = tpu.vector_load_idx %arg8[%get3A_86] : memref<16384xi32, #tpu.memory_space<vmem>>[vector<16xi32>], vector<16xi32>,
    %swap3A_88 = arith.constant 1 : i32
    %swap3A_89 = arith.index_cast %swap3A_88 : i32 to index
    %swap3A_90 = arith.constant 48 : index
    %swap3A_91 = tpu.vector_load %arg10[%swap3A_89, %swap3A_90] {strides = array<i32>} : memref<4x128xi32, #tpu.memory_space<vmem>>, vector<16xi32>,
    tpu.vector_store %arg10[%swap3A_89, %swap3A_90], %gather3A_87 {strides = array<i32>} : memref<4x128xi32, #tpu.memory_space<vmem>>, vector<16xi32>,
    %get3A_92 = arith.constant 192 : index
    %get3A_93 = tpu.vector_load %arg9[%get3A_92] {strides = array<i32>} : memref<512xi32, #tpu.memory_space<vmem>>, vector<16xi32>,
    %gather3A_94 = tpu.vector_load_idx %arg8[%get3A_93] : memref<16384xi32, #tpu.memory_space<vmem>>[vector<16xi32>], vector<16xi32>,
    %swap3A_95 = arith.constant 1 : i32
    %swap3A_96 = arith.index_cast %swap3A_95 : i32 to index
    %swap3A_97 = arith.constant 64 : index
    %swap3A_98 = tpu.vector_load %arg10[%swap3A_96, %swap3A_97] {strides = array<i32>} : memref<4x128xi32, #tpu.memory_space<vmem>>, vector<16xi32>,
    tpu.vector_store %arg10[%swap3A_96, %swap3A_97], %gather3A_94 {strides = array<i32>} : memref<4x128xi32, #tpu.memory_space<vmem>>, vector<16xi32>,
    %get3A_99 = arith.constant 208 : index
    %get3A_100 = tpu.vector_load %arg9[%get3A_99] {strides = array<i32>} : memref<512xi32, #tpu.memory_space<vmem>>, vector<16xi32>,
    %gather3A_101 = tpu.vector_load_idx %arg8[%get3A_100] : memref<16384xi32, #tpu.memory_space<vmem>>[vector<16xi32>], vector<16xi32>,
    %swap3A_102 = arith.constant 1 : i32
    %swap3A_103 = arith.index_cast %swap3A_102 : i32 to index
    %swap3A_104 = arith.constant 80 : index
    %swap3A_105 = tpu.vector_load %arg10[%swap3A_103, %swap3A_104] {strides = array<i32>} : memref<4x128xi32, #tpu.memory_space<vmem>>, vector<16xi32>,
    tpu.vector_store %arg10[%swap3A_103, %swap3A_104], %gather3A_101 {strides = array<i32>} : memref<4x128xi32, #tpu.memory_space<vmem>>, vector<16xi32>,
    %get3A_106 = arith.constant 224 : index
    %get3A_107 = tpu.vector_load %arg9[%get3A_106] {strides = array<i32>} : memref<512xi32, #tpu.memory_space<vmem>>, vector<16xi32>,
    %gather3A_108 = tpu.vector_load_idx %arg8[%get3A_107] : memref<16384xi32, #tpu.memory_space<vmem>>[vector<16xi32>], vector<16xi32>,
    %swap3A_109 = arith.constant 1 : i32
    %swap3A_110 = arith.index_cast %swap3A_109 : i32 to index
    %swap3A_111 = arith.constant 96 : index
    %swap3A_112 = tpu.vector_load %arg10[%swap3A_110, %swap3A_111] {strides = array<i32>} : memref<4x128xi32, #tpu.memory_space<vmem>>, vector<16xi32>,
    tpu.vector_store %arg10[%swap3A_110, %swap3A_111], %gather3A_108 {strides = array<i32>} : memref<4x128xi32, #tpu.memory_space<vmem>>, vector<16xi32>,
    %get3A_113 = arith.constant 240 : index
    %get3A_114 = tpu.vector_load %arg9[%get3A_113] {strides = array<i32>} : memref<512xi32, #tpu.memory_space<vmem>>, vector<16xi32>,
    %gather3A_115 = tpu.vector_load_idx %arg8[%get3A_114] : memref<16384xi32, #tpu.memory_space<vmem>>[vector<16xi32>], vector<16xi32>,
    %swap3A_116 = arith.constant 1 : i32
    %swap3A_117 = arith.index_cast %swap3A_116 : i32 to index
    %swap3A_118 = arith.constant 112 : index
    %swap3A_119 = tpu.vector_load %arg10[%swap3A_117, %swap3A_118] {strides = array<i32>} : memref<4x128xi32, #tpu.memory_space<vmem>>, vector<16xi32>,
    tpu.vector_store %arg10[%swap3A_117, %swap3A_118], %gather3A_115 {strides = array<i32>} : memref<4x128xi32, #tpu.memory_space<vmem>>, vector<16xi32>,
    %get3A_120 = arith.constant 256 : index
    %get3A_121 = tpu.vector_load %arg9[%get3A_120] {strides = array<i32>} : memref<512xi32, #tpu.memory_space<vmem>>, vector<16xi32>,
    %gather3A_122 = tpu.vector_load_idx %arg8[%get3A_121] : memref<16384xi32, #tpu.memory_space<vmem>>[vector<16xi32>], vector<16xi32>,
    %swap3A_123 = arith.constant 2 : i32
    %swap3A_124 = arith.index_cast %swap3A_123 : i32 to index
    %swap3A_125 = arith.constant 0 : index
    %swap3A_126 = tpu.vector_load %arg10[%swap3A_124, %swap3A_125] {strides = array<i32>} : memref<4x128xi32, #tpu.memory_space<vmem>>, vector<16xi32>,
    tpu.vector_store %arg10[%swap3A_124, %swap3A_125], %gather3A_122 {strides = array<i32>} : memref<4x128xi32, #tpu.memory_space<vmem>>, vector<16xi32>,
    %get3A_127 = arith.constant 272 : index
    %get3A_128 = tpu.vector_load %arg9[%get3A_127] {strides = array<i32>} : memref<512xi32, #tpu.memory_space<vmem>>, vector<16xi32>,
    %gather3A_129 = tpu.vector_load_idx %arg8[%get3A_128] : memref<16384xi32, #tpu.memory_space<vmem>>[vector<16xi32>], vector<16xi32>,
    %swap3A_130 = arith.constant 2 : i32
    %swap3A_131 = arith.index_cast %swap3A_130 : i32 to index
    %swap3A_132 = arith.constant 16 : index
    %swap3A_133 = tpu.vector_load %arg10[%swap3A_131, %swap3A_132] {strides = array<i32>} : memref<4x128xi32, #tpu.memory_space<vmem>>, vector<16xi32>,
    tpu.vector_store %arg10[%swap3A_131, %swap3A_132], %gather3A_129 {strides = array<i32>} : memref<4x128xi32, #tpu.memory_space<vmem>>, vector<16xi32>,
    %get3A_134 = arith.constant 288 : index
    %get3A_135 = tpu.vector_load %arg9[%get3A_134] {strides = array<i32>} : memref<512xi32, #tpu.memory_space<vmem>>, vector<16xi32>,
    %gather3A_136 = tpu.vector_load_idx %arg8[%get3A_135] : memref<16384xi32, #tpu.memory_space<vmem>>[vector<16xi32>], vector<16xi32>,
    %swap3A_137 = arith.constant 2 : i32
    %swap3A_138 = arith.index_cast %swap3A_137 : i32 to index
    %swap3A_139 = arith.constant 32 : index
    %swap3A_140 = tpu.vector_load %arg10[%swap3A_138, %swap3A_139] {strides = array<i32>} : memref<4x128xi32, #tpu.memory_space<vmem>>, vector<16xi32>,
    tpu.vector_store %arg10[%swap3A_138, %swap3A_139], %gather3A_136 {strides = array<i32>} : memref<4x128xi32, #tpu.memory_space<vmem>>, vector<16xi32>,
    %get3A_141 = arith.constant 304 : index
    %get3A_142 = tpu.vector_load %arg9[%get3A_141] {strides = array<i32>} : memref<512xi32, #tpu.memory_space<vmem>>, vector<16xi32>,
    %gather3A_143 = tpu.vector_load_idx %arg8[%get3A_142] : memref<16384xi32, #tpu.memory_space<vmem>>[vector<16xi32>], vector<16xi32>,
    %swap3A_144 = arith.constant 2 : i32
    %swap3A_145 = arith.index_cast %swap3A_144 : i32 to index
    %swap3A_146 = arith.constant 48 : index
    %swap3A_147 = tpu.vector_load %arg10[%swap3A_145, %swap3A_146] {strides = array<i32>} : memref<4x128xi32, #tpu.memory_space<vmem>>, vector<16xi32>,
    tpu.vector_store %arg10[%swap3A_145, %swap3A_146], %gather3A_143 {strides = array<i32>} : memref<4x128xi32, #tpu.memory_space<vmem>>, vector<16xi32>,
    %get3A_148 = arith.constant 320 : index
    %get3A_149 = tpu.vector_load %arg9[%get3A_148] {strides = array<i32>} : memref<512xi32, #tpu.memory_space<vmem>>, vector<16xi32>,
    %gather3A_150 = tpu.vector_load_idx %arg8[%get3A_149] : memref<16384xi32, #tpu.memory_space<vmem>>[vector<16xi32>], vector<16xi32>,
    %swap3A_151 = arith.constant 2 : i32
    %swap3A_152 = arith.index_cast %swap3A_151 : i32 to index
    %swap3A_153 = arith.constant 64 : index
    %swap3A_154 = tpu.vector_load %arg10[%swap3A_152, %swap3A_153] {strides = array<i32>} : memref<4x128xi32, #tpu.memory_space<vmem>>, vector<16xi32>,
    tpu.vector_store %arg10[%swap3A_152, %swap3A_153], %gather3A_150 {strides = array<i32>} : memref<4x128xi32, #tpu.memory_space<vmem>>, vector<16xi32>,
    %get3A_155 = arith.constant 336 : index
    %get3A_156 = tpu.vector_load %arg9[%get3A_155] {strides = array<i32>} : memref<512xi32, #tpu.memory_space<vmem>>, vector<16xi32>,
    %gather3A_157 = tpu.vector_load_idx %arg8[%get3A_156] : memref<16384xi32, #tpu.memory_space<vmem>>[vector<16xi32>], vector<16xi32>,
    %swap3A_158 = arith.constant 2 : i32
    %swap3A_159 = arith.index_cast %swap3A_158 : i32 to index
    %swap3A_160 = arith.constant 80 : index
    %swap3A_161 = tpu.vector_load %arg10[%swap3A_159, %swap3A_160] {strides = array<i32>} : memref<4x128xi32, #tpu.memory_space<vmem>>, vector<16xi32>,
    tpu.vector_store %arg10[%swap3A_159, %swap3A_160], %gather3A_157 {strides = array<i32>} : memref<4x128xi32, #tpu.memory_space<vmem>>, vector<16xi32>,
    %get3A_162 = arith.constant 352 : index
    %get3A_163 = tpu.vector_load %arg9[%get3A_162] {strides = array<i32>} : memref<512xi32, #tpu.memory_space<vmem>>, vector<16xi32>,
    %gather3A_164 = tpu.vector_load_idx %arg8[%get3A_163] : memref<16384xi32, #tpu.memory_space<vmem>>[vector<16xi32>], vector<16xi32>,
    %swap3A_165 = arith.constant 2 : i32
    %swap3A_166 = arith.index_cast %swap3A_165 : i32 to index
    %swap3A_167 = arith.constant 96 : index
    %swap3A_168 = tpu.vector_load %arg10[%swap3A_166, %swap3A_167] {strides = array<i32>} : memref<4x128xi32, #tpu.memory_space<vmem>>, vector<16xi32>,
    tpu.vector_store %arg10[%swap3A_166, %swap3A_167], %gather3A_164 {strides = array<i32>} : memref<4x128xi32, #tpu.memory_space<vmem>>, vector<16xi32>,
    %get3A_169 = arith.constant 368 : index
    %get3A_170 = tpu.vector_load %arg9[%get3A_169] {strides = array<i32>} : memref<512xi32, #tpu.memory_space<vmem>>, vector<16xi32>,
    %gather3A_171 = tpu.vector_load_idx %arg8[%get3A_170] : memref<16384xi32, #tpu.memory_space<vmem>>[vector<16xi32>], vector<16xi32>,
    %swap3A_172 = arith.constant 2 : i32
    %swap3A_173 = arith.index_cast %swap3A_172 : i32 to index
    %swap3A_174 = arith.constant 112 : index
    %swap3A_175 = tpu.vector_load %arg10[%swap3A_173, %swap3A_174] {strides = array<i32>} : memref<4x128xi32, #tpu.memory_space<vmem>>, vector<16xi32>,
    tpu.vector_store %arg10[%swap3A_173, %swap3A_174], %gather3A_171 {strides = array<i32>} : memref<4x128xi32, #tpu.memory_space<vmem>>, vector<16xi32>,
    %get3A_176 = arith.constant 384 : index
    %get3A_177 = tpu.vector_load %arg9[%get3A_176] {strides = array<i32>} : memref<512xi32, #tpu.memory_space<vmem>>, vector<16xi32>,
    %gather3A_178 = tpu.vector_load_idx %arg8[%get3A_177] : memref<16384xi32, #tpu.memory_space<vmem>>[vector<16xi32>], vector<16xi32>,
    %swap3A_179 = arith.constant 3 : i32
    %swap3A_180 = arith.index_cast %swap3A_179 : i32 to index
    %swap3A_181 = arith.constant 0 : index
    %swap3A_182 = tpu.vector_load %arg10[%swap3A_180, %swap3A_181] {strides = array<i32>} : memref<4x128xi32, #tpu.memory_space<vmem>>, vector<16xi32>,
    tpu.vector_store %arg10[%swap3A_180, %swap3A_181], %gather3A_178 {strides = array<i32>} : memref<4x128xi32, #tpu.memory_space<vmem>>, vector<16xi32>,
    %get3A_183 = arith.constant 400 : index
    %get3A_184 = tpu.vector_load %arg9[%get3A_183] {strides = array<i32>} : memref<512xi32, #tpu.memory_space<vmem>>, vector<16xi32>,
    %gather3A_185 = tpu.vector_load_idx %arg8[%get3A_184] : memref<16384xi32, #tpu.memory_space<vmem>>[vector<16xi32>], vector<16xi32>,
    %swap3A_186 = arith.constant 3 : i32
    %swap3A_187 = arith.index_cast %swap3A_186 : i32 to index
    %swap3A_188 = arith.constant 16 : index
    %swap3A_189 = tpu.vector_load %arg10[%swap3A_187, %swap3A_188] {strides = array<i32>} : memref<4x128xi32, #tpu.memory_space<vmem>>, vector<16xi32>,
    tpu.vector_store %arg10[%swap3A_187, %swap3A_188], %gather3A_185 {strides = array<i32>} : memref<4x128xi32, #tpu.memory_space<vmem>>, vector<16xi32>,
    %get3A_190 = arith.constant 416 : index
    %get3A_191 = tpu.vector_load %arg9[%get3A_190] {strides = array<i32>} : memref<512xi32, #tpu.memory_space<vmem>>, vector<16xi32>,
    %gather3A_192 = tpu.vector_load_idx %arg8[%get3A_191] : memref<16384xi32, #tpu.memory_space<vmem>>[vector<16xi32>], vector<16xi32>,
    %swap3A_193 = arith.constant 3 : i32
    %swap3A_194 = arith.index_cast %swap3A_193 : i32 to index
    %swap3A_195 = arith.constant 32 : index
    %swap3A_196 = tpu.vector_load %arg10[%swap3A_194, %swap3A_195] {strides = array<i32>} : memref<4x128xi32, #tpu.memory_space<vmem>>, vector<16xi32>,
    tpu.vector_store %arg10[%swap3A_194, %swap3A_195], %gather3A_192 {strides = array<i32>} : memref<4x128xi32, #tpu.memory_space<vmem>>, vector<16xi32>,
    %get3A_197 = arith.constant 432 : index
    %get3A_198 = tpu.vector_load %arg9[%get3A_197] {strides = array<i32>} : memref<512xi32, #tpu.memory_space<vmem>>, vector<16xi32>,
    %gather3A_199 = tpu.vector_load_idx %arg8[%get3A_198] : memref<16384xi32, #tpu.memory_space<vmem>>[vector<16xi32>], vector<16xi32>,
    %swap3A_200 = arith.constant 3 : i32
    %swap3A_201 = arith.index_cast %swap3A_200 : i32 to index
    %swap3A_202 = arith.constant 48 : index
    %swap3A_203 = tpu.vector_load %arg10[%swap3A_201, %swap3A_202] {strides = array<i32>} : memref<4x128xi32, #tpu.memory_space<vmem>>, vector<16xi32>,
    tpu.vector_store %arg10[%swap3A_201, %swap3A_202], %gather3A_199 {strides = array<i32>} : memref<4x128xi32, #tpu.memory_space<vmem>>, vector<16xi32>,
    %get3A_204 = arith.constant 448 : index
    %get3A_205 = tpu.vector_load %arg9[%get3A_204] {strides = array<i32>} : memref<512xi32, #tpu.memory_space<vmem>>, vector<16xi32>,
    %gather3A_206 = tpu.vector_load_idx %arg8[%get3A_205] : memref<16384xi32, #tpu.memory_space<vmem>>[vector<16xi32>], vector<16xi32>,
    %swap3A_207 = arith.constant 3 : i32
    %swap3A_208 = arith.index_cast %swap3A_207 : i32 to index
    %swap3A_209 = arith.constant 64 : index
    %swap3A_210 = tpu.vector_load %arg10[%swap3A_208, %swap3A_209] {strides = array<i32>} : memref<4x128xi32, #tpu.memory_space<vmem>>, vector<16xi32>,
    tpu.vector_store %arg10[%swap3A_208, %swap3A_209], %gather3A_206 {strides = array<i32>} : memref<4x128xi32, #tpu.memory_space<vmem>>, vector<16xi32>,
    %get3A_211 = arith.constant 464 : index
    %get3A_212 = tpu.vector_load %arg9[%get3A_211] {strides = array<i32>} : memref<512xi32, #tpu.memory_space<vmem>>, vector<16xi32>,
    %gather3A_213 = tpu.vector_load_idx %arg8[%get3A_212] : memref<16384xi32, #tpu.memory_space<vmem>>[vector<16xi32>], vector<16xi32>,
    %swap3A_214 = arith.constant 3 : i32
    %swap3A_215 = arith.index_cast %swap3A_214 : i32 to index
    %swap3A_216 = arith.constant 80 : index
    %swap3A_217 = tpu.vector_load %arg10[%swap3A_215, %swap3A_216] {strides = array<i32>} : memref<4x128xi32, #tpu.memory_space<vmem>>, vector<16xi32>,
    tpu.vector_store %arg10[%swap3A_215, %swap3A_216], %gather3A_213 {strides = array<i32>} : memref<4x128xi32, #tpu.memory_space<vmem>>, vector<16xi32>,
    %get3A_218 = arith.constant 480 : index
    %get3A_219 = tpu.vector_load %arg9[%get3A_218] {strides = array<i32>} : memref<512xi32, #tpu.memory_space<vmem>>, vector<16xi32>,
    %gather3A_220 = tpu.vector_load_idx %arg8[%get3A_219] : memref<16384xi32, #tpu.memory_space<vmem>>[vector<16xi32>], vector<16xi32>,
    %swap3A_221 = arith.constant 3 : i32
    %swap3A_222 = arith.index_cast %swap3A_221 : i32 to index
    %swap3A_223 = arith.constant 96 : index
    %swap3A_224 = tpu.vector_load %arg10[%swap3A_222, %swap3A_223] {strides = array<i32>} : memref<4x128xi32, #tpu.memory_space<vmem>>, vector<16xi32>,
    tpu.vector_store %arg10[%swap3A_222, %swap3A_223], %gather3A_220 {strides = array<i32>} : memref<4x128xi32, #tpu.memory_space<vmem>>, vector<16xi32>,
    %get3A_225 = arith.constant 496 : index
    %get3A_226 = tpu.vector_load %arg9[%get3A_225] {strides = array<i32>} : memref<512xi32, #tpu.memory_space<vmem>>, vector<16xi32>,
    %gather3A_227 = tpu.vector_load_idx %arg8[%get3A_226] : memref<16384xi32, #tpu.memory_space<vmem>>[vector<16xi32>], vector<16xi32>,
    %swap3A_228 = arith.constant 3 : i32
    %swap3A_229 = arith.index_cast %swap3A_228 : i32 to index
    %swap3A_230 = arith.constant 112 : index
    %swap3A_231 = tpu.vector_load %arg10[%swap3A_229, %swap3A_230] {strides = array<i32>} : memref<4x128xi32, #tpu.memory_space<vmem>>, vector<16xi32>,
    tpu.vector_store %arg10[%swap3A_229, %swap3A_230], %gather3A_227 {strides = array<i32>} : memref<4x128xi32, #tpu.memory_space<vmem>>, vector<16xi32>,
    %get3A_232 = arith.constant 0 : index
    %get3A_233 = tpu.vector_load %arg12[%get3A_232] {strides = array<i32>} : memref<64xi32, #tpu.memory_space<vmem>>, vector<16xi32>,
    %gather3A_234 = tpu.vector_load_idx %arg8[%get3A_233] : memref<16384xi32, #tpu.memory_space<vmem>>[vector<16xi32>], vector<16xi32>,
    %swap3A_235 = arith.constant 0 : index
    %swap3A_236 = tpu.vector_load %arg13[%swap3A_235] {strides = array<i32>} : memref<64xi32, #tpu.memory_space<vmem>>, vector<16xi32>,
    tpu.vector_store %arg13[%swap3A_235], %gather3A_234 {strides = array<i32>} : memref<64xi32, #tpu.memory_space<vmem>>, vector<16xi32>,
    %get3A_237 = arith.constant 16 : index
    %get3A_238 = tpu.vector_load %arg12[%get3A_237] {strides = array<i32>} : memref<64xi32, #tpu.memory_space<vmem>>, vector<16xi32>,
    %gather3A_239 = tpu.vector_load_idx %arg8[%get3A_238] : memref<16384xi32, #tpu.memory_space<vmem>>[vector<16xi32>], vector<16xi32>,
    %swap3A_240 = arith.constant 16 : index
    %swap3A_241 = tpu.vector_load %arg13[%swap3A_240] {strides = array<i32>} : memref<64xi32, #tpu.memory_space<vmem>>, vector<16xi32>,
    tpu.vector_store %arg13[%swap3A_240], %gather3A_239 {strides = array<i32>} : memref<64xi32, #tpu.memory_space<vmem>>, vector<16xi32>,
    %get3A_242 = arith.constant 32 : index
    %get3A_243 = tpu.vector_load %arg12[%get3A_242] {strides = array<i32>} : memref<64xi32, #tpu.memory_space<vmem>>, vector<16xi32>,
    %gather3A_244 = tpu.vector_load_idx %arg8[%get3A_243] : memref<16384xi32, #tpu.memory_space<vmem>>[vector<16xi32>], vector<16xi32>,
    %swap3A_245 = arith.constant 32 : index
    %swap3A_246 = tpu.vector_load %arg13[%swap3A_245] {strides = array<i32>} : memref<64xi32, #tpu.memory_space<vmem>>, vector<16xi32>,
    tpu.vector_store %arg13[%swap3A_245], %gather3A_244 {strides = array<i32>} : memref<64xi32, #tpu.memory_space<vmem>>, vector<16xi32>,
    %get3A_247 = arith.constant 48 : index
    %get3A_248 = tpu.vector_load %arg12[%get3A_247] {strides = array<i32>} : memref<64xi32, #tpu.memory_space<vmem>>, vector<16xi32>,
    %gather3A_249 = tpu.vector_load_idx %arg8[%get3A_248] : memref<16384xi32, #tpu.memory_space<vmem>>[vector<16xi32>], vector<16xi32>,
    %swap3A_250 = arith.constant 48 : index
    %swap3A_251 = tpu.vector_load %arg13[%swap3A_250] {strides = array<i32>} : memref<64xi32, #tpu.memory_space<vmem>>, vector<16xi32>,
    tpu.vector_store %arg13[%swap3A_250], %gather3A_249 {strides = array<i32>} : memref<64xi32, #tpu.memory_space<vmem>>, vector<16xi32>,
    %dma_start3A_252 = arith.constant 0 : i32
    %dma_start3A_253 = arith.constant 0 : i32
    %dma_start3A_254 = arith.constant 0 : i32
    %dma_start3A_255 = tpu.memref_slice %arg11[%dma_start3A_253, %dma_start3A_254] : memref<512x128xf32, #tpu.memory_space<vmem>> -> memref<128x128xf32, #tpu.memory_space<vmem>>
    %dma_start3A_256 = arith.constant 0 : i32
    %dma_start3A_257 = tpu.memref_slice %arg10[%dma_start3A_252, %dma_start3A_256] : memref<4x128xi32, #tpu.memory_space<vmem>> -> memref<1x128xi32, #tpu.memory_space<vmem>>
    %dma_start3A_258 = tpu.memref_squeeze %dma_start3A_257 : memref<1x128xi32, #tpu.memory_space<vmem>> -> memref<128xi32, #tpu.memory_space<vmem>>
    %dma_start3A_259 = arith.constant 0 : i32
    %dma_start3A_260 = arith.constant 0 : i32
    %dma_start3A_261 = tpu.memref_slice %arg2[%dma_start3A_259, %dma_start3A_260] : memref<100000x128xf32, #tpu.memory_space<hbm>> -> memref<100000x128xf32, #tpu.memory_space<hbm>>
    tpu.enqueue_indirect_dma source(%dma_start3A_261 : memref<100000x128xf32, #tpu.memory_space<hbm>>) target(%dma_start3A_255 : memref<128x128xf32, #tpu.memory_space<vmem>>) offsets(%dma_start3A_258 : memref<128xi32, #tpu.memory_space<vmem>>) semaphore(%arg15 : memref<!tpu.dma_semaphore, #tpu.memory_space<semaphore_mem>>)
    %dma_start3A_262 = arith.constant 1 : i32
    %dma_start3A_263 = arith.constant 128 : i32
    %dma_start3A_264 = arith.constant 0 : i32
    %dma_start3A_265 = tpu.memref_slice %arg11[%dma_start3A_263, %dma_start3A_264] : memref<512x128xf32, #tpu.memory_space<vmem>> -> memref<128x128xf32, #tpu.memory_space<vmem>>
    %dma_start3A_266 = arith.constant 0 : i32
    %dma_start3A_267 = tpu.memref_slice %arg10[%dma_start3A_262, %dma_start3A_266] : memref<4x128xi32, #tpu.memory_space<vmem>> -> memref<1x128xi32, #tpu.memory_space<vmem>>
    %dma_start3A_268 = tpu.memref_squeeze %dma_start3A_267 : memref<1x128xi32, #tpu.memory_space<vmem>> -> memref<128xi32, #tpu.memory_space<vmem>>
    %dma_start3A_269 = arith.constant 0 : i32
    %dma_start3A_270 = arith.constant 0 : i32
    %dma_start3A_271 = tpu.memref_slice %arg2[%dma_start3A_269, %dma_start3A_270] : memref<100000x128xf32, #tpu.memory_space<hbm>> -> memref<100000x128xf32, #tpu.memory_space<hbm>>
    tpu.enqueue_indirect_dma source(%dma_start3A_271 : memref<100000x128xf32, #tpu.memory_space<hbm>>) target(%dma_start3A_265 : memref<128x128xf32, #tpu.memory_space<vmem>>) offsets(%dma_start3A_268 : memref<128xi32, #tpu.memory_space<vmem>>) semaphore(%arg15 : memref<!tpu.dma_semaphore, #tpu.memory_space<semaphore_mem>>)
    %dma_start3A_272 = arith.constant 2 : i32
    %dma_start3A_273 = arith.constant 256 : i32
    %dma_start3A_274 = arith.constant 0 : i32
    %dma_start3A_275 = tpu.memref_slice %arg11[%dma_start3A_273, %dma_start3A_274] : memref<512x128xf32, #tpu.memory_space<vmem>> -> memref<128x128xf32, #tpu.memory_space<vmem>>
    %dma_start3A_276 = arith.constant 0 : i32
    %dma_start3A_277 = tpu.memref_slice %arg10[%dma_start3A_272, %dma_start3A_276] : memref<4x128xi32, #tpu.memory_space<vmem>> -> memref<1x128xi32, #tpu.memory_space<vmem>>
    %dma_start3A_278 = tpu.memref_squeeze %dma_start3A_277 : memref<1x128xi32, #tpu.memory_space<vmem>> -> memref<128xi32, #tpu.memory_space<vmem>>
    %dma_start3A_279 = arith.constant 0 : i32
    %dma_start3A_280 = arith.constant 0 : i32
    %dma_start3A_281 = tpu.memref_slice %arg2[%dma_start3A_279, %dma_start3A_280] : memref<100000x128xf32, #tpu.memory_space<hbm>> -> memref<100000x128xf32, #tpu.memory_space<hbm>>
    tpu.enqueue_indirect_dma source(%dma_start3A_281 : memref<100000x128xf32, #tpu.memory_space<hbm>>) target(%dma_start3A_275 : memref<128x128xf32, #tpu.memory_space<vmem>>) offsets(%dma_start3A_278 : memref<128xi32, #tpu.memory_space<vmem>>) semaphore(%arg15 : memref<!tpu.dma_semaphore, #tpu.memory_space<semaphore_mem>>)
    %dma_start3A_282 = arith.constant 3 : i32
    %dma_start3A_283 = arith.constant 384 : i32
    %dma_start3A_284 = arith.constant 0 : i32
    %dma_start3A_285 = tpu.memref_slice %arg11[%dma_start3A_283, %dma_start3A_284] : memref<512x128xf32, #tpu.memory_space<vmem>> -> memref<128x128xf32, #tpu.memory_space<vmem>>
    %dma_start3A_286 = arith.constant 0 : i32
    %dma_start3A_287 = tpu.memref_slice %arg10[%dma_start3A_282, %dma_start3A_286] : memref<4x128xi32, #tpu.memory_space<vmem>> -> memref<1x128xi32, #tpu.memory_space<vmem>>
    %dma_start3A_288 = tpu.memref_squeeze %dma_start3A_287 : memref<1x128xi32, #tpu.memory_space<vmem>> -> memref<128xi32, #tpu.memory_space<vmem>>
    %dma_start3A_289 = arith.constant 0 : i32
    %dma_start3A_290 = arith.constant 0 : i32
    %dma_start3A_291 = tpu.memref_slice %arg2[%dma_start3A_289, %dma_start3A_290] : memref<100000x128xf32, #tpu.memory_space<hbm>> -> memref<100000x128xf32, #tpu.memory_space<hbm>>
    tpu.enqueue_indirect_dma source(%dma_start3A_291 : memref<100000x128xf32, #tpu.memory_space<hbm>>) target(%dma_start3A_285 : memref<128x128xf32, #tpu.memory_space<vmem>>) offsets(%dma_start3A_288 : memref<128xi32, #tpu.memory_space<vmem>>) semaphore(%arg15 : memref<!tpu.dma_semaphore, #tpu.memory_space<semaphore_mem>>)
    %dma_start3A_292 = arith.constant 0 : i32
    %dma_start3A_293 = arith.constant 0 : i32
    %dma_start3A_294 = tpu.memref_slice %arg2[%dma_start3A_292, %dma_start3A_293] : memref<100000x128xf32, #tpu.memory_space<hbm>> -> memref<100000x128xf32, #tpu.memory_space<hbm>>
    tpu.enqueue_indirect_dma source(%dma_start3A_294 : memref<100000x128xf32, #tpu.memory_space<hbm>>) target(%arg14 : memref<64x128xf32, #tpu.memory_space<vmem>>) offsets(%arg13 : memref<64xi32, #tpu.memory_space<vmem>>) semaphore(%arg15 : memref<!tpu.dma_semaphore, #tpu.memory_space<semaphore_mem>>)
    %dma_wait3A_295 = arith.constant 0 : i32
    %dma_wait3A_296 = arith.constant 0 : i32
    %dma_wait3A_297 = arith.constant 0 : i32
    %dma_wait3A_298 = tpu.memref_slice %arg11[%dma_wait3A_296, %dma_wait3A_297] : memref<512x128xf32, #tpu.memory_space<vmem>> -> memref<128x128xf32, #tpu.memory_space<vmem>>
    %dma_wait3A_299 = arith.constant 0 : i32
    %dma_wait3A_300 = tpu.memref_slice %arg10[%dma_wait3A_295, %dma_wait3A_299] : memref<4x128xi32, #tpu.memory_space<vmem>> -> memref<1x128xi32, #tpu.memory_space<vmem>>
    %dma_wait3A_301 = tpu.memref_squeeze %dma_wait3A_300 : memref<1x128xi32, #tpu.memory_space<vmem>> -> memref<128xi32, #tpu.memory_space<vmem>>
    %dma_wait3A_302 = arith.constant 0 : i32
    %dma_wait3A_303 = arith.constant 0 : i32
    %dma_wait3A_304 = tpu.memref_slice %arg2[%dma_wait3A_302, %dma_wait3A_303] : memref<100000x128xf32, #tpu.memory_space<hbm>> -> memref<100000x128xf32, #tpu.memory_space<hbm>>
    tpu.wait_indirect_dma semaphore(%arg15 : memref<!tpu.dma_semaphore, #tpu.memory_space<semaphore_mem>>) src(%dma_wait3A_304 : memref<100000x128xf32, #tpu.memory_space<hbm>>) dst(%dma_wait3A_298 : memref<128x128xf32, #tpu.memory_space<vmem>>)
    %add3A_305 = arith.constant 0 : i32
    %add3A_306 = arith.addi %mul3A_2, %add3A_305 : i32
    %dma_start3A_307 = arith.constant 0 : i32
    %dma_start3A_308 = arith.constant 0 : i32
    %dma_start3A_309 = tpu.memref_slice %arg11[%dma_start3A_307, %dma_start3A_308] : memref<512x128xf32, #tpu.memory_space<vmem>> -> memref<128x128xf32, #tpu.memory_space<vmem>>
    %dma_start3A_310 = arith.constant 0 : i32
    %dma_start3A_311 = tpu.memref_slice %arg6[%add3A_306, %dma_start3A_310] : memref<16384x128xf32, #tpu.memory_space<hbm>> -> memref<128x128xf32, #tpu.memory_space<hbm>>
    %dma_start3A_312 = arith.constant 0 : i32
    %dma_start3A_313 = tpu.memref_slice %arg6[%add3A_306, %dma_start3A_312] : memref<16384x128xf32, #tpu.memory_space<hbm>> -> memref<128x128xf32, #tpu.memory_space<hbm>>
    %dma_start3A_314 = arith.constant 0 : i32
    %dma_start3A_315 = arith.constant 0 : i32
    %dma_start3A_316 = tpu.memref_slice %arg11[%dma_start3A_314, %dma_start3A_315] : memref<512x128xf32, #tpu.memory_space<vmem>> -> memref<128x128xf32, #tpu.memory_space<vmem>>
    tpu.enqueue_dma source(%dma_start3A_316 : memref<128x128xf32, #tpu.memory_space<vmem>>) target(%dma_start3A_313 : memref<128x128xf32, #tpu.memory_space<hbm>>) target_semaphore(%arg16 : memref<!tpu.dma_semaphore, #tpu.memory_space<semaphore_mem>>)
    %dma_wait3A_317 = arith.constant 1 : i32
    %dma_wait3A_318 = arith.constant 128 : i32
    %dma_wait3A_319 = arith.constant 0 : i32
    %dma_wait3A_320 = tpu.memref_slice %arg11[%dma_wait3A_318, %dma_wait3A_319] : memref<512x128xf32, #tpu.memory_space<vmem>> -> memref<128x128xf32, #tpu.memory_space<vmem>>
    %dma_wait3A_321 = arith.constant 0 : i32
    %dma_wait3A_322 = tpu.memref_slice %arg10[%dma_wait3A_317, %dma_wait3A_321] : memref<4x128xi32, #tpu.memory_space<vmem>> -> memref<1x128xi32, #tpu.memory_space<vmem>>
    %dma_wait3A_323 = tpu.memref_squeeze %dma_wait3A_322 : memref<1x128xi32, #tpu.memory_space<vmem>> -> memref<128xi32, #tpu.memory_space<vmem>>
    %dma_wait3A_324 = arith.constant 0 : i32
    %dma_wait3A_325 = arith.constant 0 : i32
    %dma_wait3A_326 = tpu.memref_slice %arg2[%dma_wait3A_324, %dma_wait3A_325] : memref<100000x128xf32, #tpu.memory_space<hbm>> -> memref<100000x128xf32, #tpu.memory_space<hbm>>
    tpu.wait_indirect_dma semaphore(%arg15 : memref<!tpu.dma_semaphore, #tpu.memory_space<semaphore_mem>>) src(%dma_wait3A_326 : memref<100000x128xf32, #tpu.memory_space<hbm>>) dst(%dma_wait3A_320 : memref<128x128xf32, #tpu.memory_space<vmem>>)
    %add3A_327 = arith.constant 128 : i32
    %add3A_328 = arith.addi %mul3A_2, %add3A_327 : i32
    %dma_start3A_329 = arith.constant 128 : i32
    %dma_start3A_330 = arith.constant 0 : i32
    %dma_start3A_331 = tpu.memref_slice %arg11[%dma_start3A_329, %dma_start3A_330] : memref<512x128xf32, #tpu.memory_space<vmem>> -> memref<128x128xf32, #tpu.memory_space<vmem>>
    %dma_start3A_332 = arith.constant 0 : i32
    %dma_start3A_333 = tpu.memref_slice %arg6[%add3A_328, %dma_start3A_332] : memref<16384x128xf32, #tpu.memory_space<hbm>> -> memref<128x128xf32, #tpu.memory_space<hbm>>
    %dma_start3A_334 = arith.constant 0 : i32
    %dma_start3A_335 = tpu.memref_slice %arg6[%add3A_328, %dma_start3A_334] : memref<16384x128xf32, #tpu.memory_space<hbm>> -> memref<128x128xf32, #tpu.memory_space<hbm>>
    %dma_start3A_336 = arith.constant 128 : i32
    %dma_start3A_337 = arith.constant 0 : i32
    %dma_start3A_338 = tpu.memref_slice %arg11[%dma_start3A_336, %dma_start3A_337] : memref<512x128xf32, #tpu.memory_space<vmem>> -> memref<128x128xf32, #tpu.memory_space<vmem>>
    tpu.enqueue_dma source(%dma_start3A_338 : memref<128x128xf32, #tpu.memory_space<vmem>>) target(%dma_start3A_335 : memref<128x128xf32, #tpu.memory_space<hbm>>) target_semaphore(%arg16 : memref<!tpu.dma_semaphore, #tpu.memory_space<semaphore_mem>>)
    %dma_wait3A_339 = arith.constant 2 : i32
    %dma_wait3A_340 = arith.constant 256 : i32
    %dma_wait3A_341 = arith.constant 0 : i32
    %dma_wait3A_342 = tpu.memref_slice %arg11[%dma_wait3A_340, %dma_wait3A_341] : memref<512x128xf32, #tpu.memory_space<vmem>> -> memref<128x128xf32, #tpu.memory_space<vmem>>
    %dma_wait3A_343 = arith.constant 0 : i32
    %dma_wait3A_344 = tpu.memref_slice %arg10[%dma_wait3A_339, %dma_wait3A_343] : memref<4x128xi32, #tpu.memory_space<vmem>> -> memref<1x128xi32, #tpu.memory_space<vmem>>
    %dma_wait3A_345 = tpu.memref_squeeze %dma_wait3A_344 : memref<1x128xi32, #tpu.memory_space<vmem>> -> memref<128xi32, #tpu.memory_space<vmem>>
    %dma_wait3A_346 = arith.constant 0 : i32
    %dma_wait3A_347 = arith.constant 0 : i32
    %dma_wait3A_348 = tpu.memref_slice %arg2[%dma_wait3A_346, %dma_wait3A_347] : memref<100000x128xf32, #tpu.memory_space<hbm>> -> memref<100000x128xf32, #tpu.memory_space<hbm>>
    tpu.wait_indirect_dma semaphore(%arg15 : memref<!tpu.dma_semaphore, #tpu.memory_space<semaphore_mem>>) src(%dma_wait3A_348 : memref<100000x128xf32, #tpu.memory_space<hbm>>) dst(%dma_wait3A_342 : memref<128x128xf32, #tpu.memory_space<vmem>>)
    %add3A_349 = arith.constant 256 : i32
    %add3A_350 = arith.addi %mul3A_2, %add3A_349 : i32
    %dma_start3A_351 = arith.constant 256 : i32
    %dma_start3A_352 = arith.constant 0 : i32
    %dma_start3A_353 = tpu.memref_slice %arg11[%dma_start3A_351, %dma_start3A_352] : memref<512x128xf32, #tpu.memory_space<vmem>> -> memref<128x128xf32, #tpu.memory_space<vmem>>
    %dma_start3A_354 = arith.constant 0 : i32
    %dma_start3A_355 = tpu.memref_slice %arg6[%add3A_350, %dma_start3A_354] : memref<16384x128xf32, #tpu.memory_space<hbm>> -> memref<128x128xf32, #tpu.memory_space<hbm>>
    %dma_start3A_356 = arith.constant 0 : i32
    %dma_start3A_357 = tpu.memref_slice %arg6[%add3A_350, %dma_start3A_356] : memref<16384x128xf32, #tpu.memory_space<hbm>> -> memref<128x128xf32, #tpu.memory_space<hbm>>
    %dma_start3A_358 = arith.constant 256 : i32
    %dma_start3A_359 = arith.constant 0 : i32
    %dma_start3A_360 = tpu.memref_slice %arg11[%dma_start3A_358, %dma_start3A_359] : memref<512x128xf32, #tpu.memory_space<vmem>> -> memref<128x128xf32, #tpu.memory_space<vmem>>
    tpu.enqueue_dma source(%dma_start3A_360 : memref<128x128xf32, #tpu.memory_space<vmem>>) target(%dma_start3A_357 : memref<128x128xf32, #tpu.memory_space<hbm>>) target_semaphore(%arg16 : memref<!tpu.dma_semaphore, #tpu.memory_space<semaphore_mem>>)
    %dma_wait3A_361 = arith.constant 3 : i32
    %dma_wait3A_362 = arith.constant 384 : i32
    %dma_wait3A_363 = arith.constant 0 : i32
    %dma_wait3A_364 = tpu.memref_slice %arg11[%dma_wait3A_362, %dma_wait3A_363] : memref<512x128xf32, #tpu.memory_space<vmem>> -> memref<128x128xf32, #tpu.memory_space<vmem>>
    %dma_wait3A_365 = arith.constant 0 : i32
    %dma_wait3A_366 = tpu.memref_slice %arg10[%dma_wait3A_361, %dma_wait3A_365] : memref<4x128xi32, #tpu.memory_space<vmem>> -> memref<1x128xi32, #tpu.memory_space<vmem>>
    %dma_wait3A_367 = tpu.memref_squeeze %dma_wait3A_366 : memref<1x128xi32, #tpu.memory_space<vmem>> -> memref<128xi32, #tpu.memory_space<vmem>>
    %dma_wait3A_368 = arith.constant 0 : i32
    %dma_wait3A_369 = arith.constant 0 : i32
    %dma_wait3A_370 = tpu.memref_slice %arg2[%dma_wait3A_368, %dma_wait3A_369] : memref<100000x128xf32, #tpu.memory_space<hbm>> -> memref<100000x128xf32, #tpu.memory_space<hbm>>
    tpu.wait_indirect_dma semaphore(%arg15 : memref<!tpu.dma_semaphore, #tpu.memory_space<semaphore_mem>>) src(%dma_wait3A_370 : memref<100000x128xf32, #tpu.memory_space<hbm>>) dst(%dma_wait3A_364 : memref<128x128xf32, #tpu.memory_space<vmem>>)
    %add3A_371 = arith.constant 384 : i32
    %add3A_372 = arith.addi %mul3A_2, %add3A_371 : i32
    %dma_start3A_373 = arith.constant 384 : i32
    %dma_start3A_374 = arith.constant 0 : i32
    %dma_start3A_375 = tpu.memref_slice %arg11[%dma_start3A_373, %dma_start3A_374] : memref<512x128xf32, #tpu.memory_space<vmem>> -> memref<128x128xf32, #tpu.memory_space<vmem>>
    %dma_start3A_376 = arith.constant 0 : i32
    %dma_start3A_377 = tpu.memref_slice %arg6[%add3A_372, %dma_start3A_376] : memref<16384x128xf32, #tpu.memory_space<hbm>> -> memref<128x128xf32, #tpu.memory_space<hbm>>
    %dma_start3A_378 = arith.constant 0 : i32
    %dma_start3A_379 = tpu.memref_slice %arg6[%add3A_372, %dma_start3A_378] : memref<16384x128xf32, #tpu.memory_space<hbm>> -> memref<128x128xf32, #tpu.memory_space<hbm>>
    %dma_start3A_380 = arith.constant 384 : i32
    %dma_start3A_381 = arith.constant 0 : i32
    %dma_start3A_382 = tpu.memref_slice %arg11[%dma_start3A_380, %dma_start3A_381] : memref<512x128xf32, #tpu.memory_space<vmem>> -> memref<128x128xf32, #tpu.memory_space<vmem>>
    tpu.enqueue_dma source(%dma_start3A_382 : memref<128x128xf32, #tpu.memory_space<vmem>>) target(%dma_start3A_379 : memref<128x128xf32, #tpu.memory_space<hbm>>) target_semaphore(%arg16 : memref<!tpu.dma_semaphore, #tpu.memory_space<semaphore_mem>>)
    %dma_wait3A_383 = arith.constant 0 : i32
    %dma_wait3A_384 = arith.constant 0 : i32
    %dma_wait3A_385 = tpu.memref_slice %arg2[%dma_wait3A_383, %dma_wait3A_384] : memref<100000x128xf32, #tpu.memory_space<hbm>> -> memref<100000x128xf32, #tpu.memory_space<hbm>>
    tpu.wait_indirect_dma semaphore(%arg15 : memref<!tpu.dma_semaphore, #tpu.memory_space<semaphore_mem>>) src(%dma_wait3A_385 : memref<100000x128xf32, #tpu.memory_space<hbm>>) dst(%arg14 : memref<64x128xf32, #tpu.memory_space<vmem>>)
    %dma_start3A_386 = arith.constant 0 : i32
    %dma_start3A_387 = tpu.memref_slice %arg7[%mul3A_4, %dma_start3A_386] : memref<2048x128xf32, #tpu.memory_space<hbm>> -> memref<64x128xf32, #tpu.memory_space<hbm>>
    %dma_start3A_388 = arith.constant 0 : i32
    %dma_start3A_389 = tpu.memref_slice %arg7[%mul3A_4, %dma_start3A_388] : memref<2048x128xf32, #tpu.memory_space<hbm>> -> memref<64x128xf32, #tpu.memory_space<hbm>>
    tpu.enqueue_dma source(%arg14 : memref<64x128xf32, #tpu.memory_space<vmem>>) target(%dma_start3A_389 : memref<64x128xf32, #tpu.memory_space<hbm>>) target_semaphore(%arg16 : memref<!tpu.dma_semaphore, #tpu.memory_space<semaphore_mem>>)
    %dma_wait3A_390 = arith.constant 0 : i32
    %dma_wait3A_391 = arith.constant 0 : i32
    %dma_wait3A_392 = tpu.memref_slice %arg11[%dma_wait3A_390, %dma_wait3A_391] : memref<512x128xf32, #tpu.memory_space<vmem>> -> memref<128x128xf32, #tpu.memory_space<vmem>>
    %dma_wait3A_393 = arith.constant 0 : i32
    %dma_wait3A_394 = tpu.memref_slice %arg6[%add3A_306, %dma_wait3A_393] : memref<16384x128xf32, #tpu.memory_space<hbm>> -> memref<128x128xf32, #tpu.memory_space<hbm>>
    %dma_wait3A_395 = arith.constant 0 : i32
    %dma_wait3A_396 = tpu.memref_slice %arg6[%add3A_306, %dma_wait3A_395] : memref<16384x128xf32, #tpu.memory_space<hbm>> -> memref<128x128xf32, #tpu.memory_space<hbm>>
    %dma_wait3A_397 = arith.constant 0 : i32
    %dma_wait3A_398 = arith.constant 0 : i32
    %dma_wait3A_399 = tpu.memref_slice %arg11[%dma_wait3A_397, %dma_wait3A_398] : memref<512x128xf32, #tpu.memory_space<vmem>> -> memref<128x128xf32, #tpu.memory_space<vmem>>
    tpu.wait_dma2 semaphore(%arg16 : memref<!tpu.dma_semaphore, #tpu.memory_space<semaphore_mem>>) src(%dma_wait3A_399 : memref<128x128xf32, #tpu.memory_space<vmem>>) dst(%dma_wait3A_396 : memref<128x128xf32, #tpu.memory_space<hbm>>)
    %dma_wait3A_400 = arith.constant 128 : i32
    %dma_wait3A_401 = arith.constant 0 : i32
    %dma_wait3A_402 = tpu.memref_slice %arg11[%dma_wait3A_400, %dma_wait3A_401] : memref<512x128xf32, #tpu.memory_space<vmem>> -> memref<128x128xf32, #tpu.memory_space<vmem>>
    %dma_wait3A_403 = arith.constant 0 : i32
    %dma_wait3A_404 = tpu.memref_slice %arg6[%add3A_328, %dma_wait3A_403] : memref<16384x128xf32, #tpu.memory_space<hbm>> -> memref<128x128xf32, #tpu.memory_space<hbm>>
    %dma_wait3A_405 = arith.constant 0 : i32
    %dma_wait3A_406 = tpu.memref_slice %arg6[%add3A_328, %dma_wait3A_405] : memref<16384x128xf32, #tpu.memory_space<hbm>> -> memref<128x128xf32, #tpu.memory_space<hbm>>
    %dma_wait3A_407 = arith.constant 128 : i32
    %dma_wait3A_408 = arith.constant 0 : i32
    %dma_wait3A_409 = tpu.memref_slice %arg11[%dma_wait3A_407, %dma_wait3A_408] : memref<512x128xf32, #tpu.memory_space<vmem>> -> memref<128x128xf32, #tpu.memory_space<vmem>>
    tpu.wait_dma2 semaphore(%arg16 : memref<!tpu.dma_semaphore, #tpu.memory_space<semaphore_mem>>) src(%dma_wait3A_409 : memref<128x128xf32, #tpu.memory_space<vmem>>) dst(%dma_wait3A_406 : memref<128x128xf32, #tpu.memory_space<hbm>>)
    %dma_wait3A_410 = arith.constant 256 : i32
    %dma_wait3A_411 = arith.constant 0 : i32
    %dma_wait3A_412 = tpu.memref_slice %arg11[%dma_wait3A_410, %dma_wait3A_411] : memref<512x128xf32, #tpu.memory_space<vmem>> -> memref<128x128xf32, #tpu.memory_space<vmem>>
    %dma_wait3A_413 = arith.constant 0 : i32
    %dma_wait3A_414 = tpu.memref_slice %arg6[%add3A_350, %dma_wait3A_413] : memref<16384x128xf32, #tpu.memory_space<hbm>> -> memref<128x128xf32, #tpu.memory_space<hbm>>
    %dma_wait3A_415 = arith.constant 0 : i32
    %dma_wait3A_416 = tpu.memref_slice %arg6[%add3A_350, %dma_wait3A_415] : memref<16384x128xf32, #tpu.memory_space<hbm>> -> memref<128x128xf32, #tpu.memory_space<hbm>>
    %dma_wait3A_417 = arith.constant 256 : i32
    %dma_wait3A_418 = arith.constant 0 : i32
    %dma_wait3A_419 = tpu.memref_slice %arg11[%dma_wait3A_417, %dma_wait3A_418] : memref<512x128xf32, #tpu.memory_space<vmem>> -> memref<128x128xf32, #tpu.memory_space<vmem>>
    tpu.wait_dma2 semaphore(%arg16 : memref<!tpu.dma_semaphore, #tpu.memory_space<semaphore_mem>>) src(%dma_wait3A_419 : memref<128x128xf32, #tpu.memory_space<vmem>>) dst(%dma_wait3A_416 : memref<128x128xf32, #tpu.memory_space<hbm>>)
    %dma_wait3A_420 = arith.constant 384 : i32
    %dma_wait3A_421 = arith.constant 0 : i32
    %dma_wait3A_422 = tpu.memref_slice %arg11[%dma_wait3A_420, %dma_wait3A_421] : memref<512x128xf32, #tpu.memory_space<vmem>> -> memref<128x128xf32, #tpu.memory_space<vmem>>
    %dma_wait3A_423 = arith.constant 0 : i32
    %dma_wait3A_424 = tpu.memref_slice %arg6[%add3A_372, %dma_wait3A_423] : memref<16384x128xf32, #tpu.memory_space<hbm>> -> memref<128x128xf32, #tpu.memory_space<hbm>>
    %dma_wait3A_425 = arith.constant 0 : i32
    %dma_wait3A_426 = tpu.memref_slice %arg6[%add3A_372, %dma_wait3A_425] : memref<16384x128xf32, #tpu.memory_space<hbm>> -> memref<128x128xf32, #tpu.memory_space<hbm>>
    %dma_wait3A_427 = arith.constant 384 : i32
    %dma_wait3A_428 = arith.constant 0 : i32
    %dma_wait3A_429 = tpu.memref_slice %arg11[%dma_wait3A_427, %dma_wait3A_428] : memref<512x128xf32, #tpu.memory_space<vmem>> -> memref<128x128xf32, #tpu.memory_space<vmem>>
    tpu.wait_dma2 semaphore(%arg16 : memref<!tpu.dma_semaphore, #tpu.memory_space<semaphore_mem>>) src(%dma_wait3A_429 : memref<128x128xf32, #tpu.memory_space<vmem>>) dst(%dma_wait3A_426 : memref<128x128xf32, #tpu.memory_space<hbm>>)
    %dma_wait3A_430 = arith.constant 0 : i32
    %dma_wait3A_431 = tpu.memref_slice %arg7[%mul3A_4, %dma_wait3A_430] : memref<2048x128xf32, #tpu.memory_space<hbm>> -> memref<64x128xf32, #tpu.memory_space<hbm>>
    %dma_wait3A_432 = arith.constant 0 : i32
    %dma_wait3A_433 = tpu.memref_slice %arg7[%mul3A_4, %dma_wait3A_432] : memref<2048x128xf32, #tpu.memory_space<hbm>> -> memref<64x128xf32, #tpu.memory_space<hbm>>
    tpu.wait_dma2 semaphore(%arg16 : memref<!tpu.dma_semaphore, #tpu.memory_space<semaphore_mem>>) src(%arg14 : memref<64x128xf32, #tpu.memory_space<vmem>>) dst(%dma_wait3A_433 : memref<64x128xf32, #tpu.memory_space<hbm>>)
    return
  }
}

module attributes {stable_mosaic.version = 14 : i64} {
  func.func @_tc_body(%arg0: i32, %arg1: memref<2048x1xi32, #tpu.memory_space<vmem>>, %arg2: memref<512x1xi32, #tpu.memory_space<vmem>>, %arg3: memref<128x16384xf32, #tpu.memory_space<vmem>>, %arg4: memref<16384x128xf32, #tpu.memory_space<vmem>>, %arg5: memref<128x128xf32, #tpu.memory_space<vmem>>, %arg6: memref<512x2048xf32, #tpu.memory_space<vmem>>, %arg7: memref<128x128xf32, #tpu.memory_space<vmem>>, %arg8: memref<128x128xf32, #tpu.memory_space<vmem>>, %arg9: memref<128x64xf32, #tpu.memory_space<vmem>>, %arg10: memref<1x64xf32, #tpu.memory_space<vmem>>, %arg11: memref<64x64xf32, #tpu.memory_space<vmem>>, %arg12: memref<1x64xf32, #tpu.memory_space<vmem>>, %arg13: memref<64x8xf32, #tpu.memory_space<vmem>>, %arg14: memref<1x8xf32, #tpu.memory_space<vmem>>, %arg15: memref<512x8xf32, #tpu.memory_space<vmem>>, %arg16: memref<16384x128xbf16, #tpu.memory_space<vmem>>, %arg17: memref<512x2048xbf16, #tpu.memory_space<vmem>>, %arg18: memref<512x128xf32, #tpu.memory_space<vmem>>, %arg19: memref<512x128xf32, #tpu.memory_space<vmem>>) attributes {dimension_semantics = [#tpu.dimension_semantics<arbitrary>], iteration_bounds = array<i64: 16>, scalar_prefetch = 0 : i64, scratch_operands = 4 : i64, tpu.core_type = #tpu.core_type<tc>, window_params = [{pipeline_mode = #tpu.pipeline_mode<synchronous>, transform_indices = @transform_0, window_bounds = array<i64: 2048, 1>}, {pipeline_mode = #tpu.pipeline_mode<synchronous>, transform_indices = @transform_1, window_bounds = array<i64: 512, 1>}, {transform_indices = @transform_2, window_bounds = array<i64: 128, 16384>}, {pipeline_mode = #tpu.pipeline_mode<synchronous>, transform_indices = @transform_3, window_bounds = array<i64: 16384, 128>}, {transform_indices = @transform_4, window_bounds = array<i64: 128, 128>}, {pipeline_mode = #tpu.pipeline_mode<synchronous>, transform_indices = @transform_5, window_bounds = array<i64: 512, 2048>}, {pipeline_mode = #tpu.pipeline_mode<synchronous>, transform_indices = @transform_6, window_bounds = array<i64: 128, 128>}, {pipeline_mode = #tpu.pipeline_mode<synchronous>, transform_indices = @transform_7, window_bounds = array<i64: 128, 128>}, {pipeline_mode = #tpu.pipeline_mode<synchronous>, transform_indices = @transform_8, window_bounds = array<i64: 128, 64>}, {pipeline_mode = #tpu.pipeline_mode<synchronous>, transform_indices = @transform_9, window_bounds = array<i64: 1, 64>}, {pipeline_mode = #tpu.pipeline_mode<synchronous>, transform_indices = @transform_10, window_bounds = array<i64: 64, 64>}, {pipeline_mode = #tpu.pipeline_mode<synchronous>, transform_indices = @transform_11, window_bounds = array<i64: 1, 64>}, {pipeline_mode = #tpu.pipeline_mode<synchronous>, transform_indices = @transform_12, window_bounds = array<i64: 64, 8>}, {pipeline_mode = #tpu.pipeline_mode<synchronous>, transform_indices = @transform_13, window_bounds = array<i64: 1, 8>}, {pipeline_mode = #tpu.pipeline_mode<synchronous>, transform_indices = @transform_14, window_bounds = array<i64: 512, 8>}]} {
    %eq3A = arith.constant 0 : i32
    %eq3A_0 = arith.cmpi eq, %arg0, %eq3A : i32
    %convert_element_type3A = arith.extui %eq3A_0 : i1 to i32
    %cond3A = arith.constant 0 : i32
    %cond3A_1 = arith.cmpi ne, %convert_element_type3A, %cond3A : i32
    scf.if %cond3A_1 {
      %get3A_75 = arith.constant 0 : index
      %get3A_76 = arith.constant 0 : index
      %get3A_77 = vector.load %arg4[%get3A_75, %get3A_76] : memref<16384x128xf32, #tpu.memory_space<vmem>>, vector<16384x128xf32>
      %convert_element_type3A_78 = arith.truncf %get3A_77 : vector<16384x128xf32> to vector<16384x128xbf16>
      %swap3A_79 = arith.constant 0 : index
      %swap3A_80 = arith.constant 0 : index
      %swap3A_81 = vector.load %arg16[%swap3A_79, %swap3A_80] : memref<16384x128xbf16, #tpu.memory_space<vmem>>, vector<16384x128xbf16>
      tpu.vector_store %arg16[%swap3A_79, %swap3A_80], %convert_element_type3A_78 {strides = array<i32>} : memref<16384x128xbf16, #tpu.memory_space<vmem>>, vector<16384x128xbf16>,
      %get3A_82 = arith.constant 0 : index
      %get3A_83 = arith.constant 0 : index
      %get3A_84 = vector.load %arg6[%get3A_82, %get3A_83] : memref<512x2048xf32, #tpu.memory_space<vmem>>, vector<512x2048xf32>
      %convert_element_type3A_85 = arith.truncf %get3A_84 : vector<512x2048xf32> to vector<512x2048xbf16>
      %swap3A_86 = arith.constant 0 : index
      %swap3A_87 = arith.constant 0 : index
      %swap3A_88 = vector.load %arg17[%swap3A_86, %swap3A_87] : memref<512x2048xbf16, #tpu.memory_space<vmem>>, vector<512x2048xbf16>
      tpu.vector_store %arg17[%swap3A_86, %swap3A_87], %convert_element_type3A_85 {strides = array<i32>} : memref<512x2048xbf16, #tpu.memory_space<vmem>>, vector<512x2048xbf16>,
      %broadcast_in_dim3A = arith.constant 0.000000e+00 : f32
      %broadcast_in_dim3A_89 = vector.broadcast %broadcast_in_dim3A : f32 to vector<512x128xf32>
      %swap3A_90 = arith.constant 0 : index
      %swap3A_91 = arith.constant 0 : index
      %swap3A_92 = vector.load %arg18[%swap3A_90, %swap3A_91] : memref<512x128xf32, #tpu.memory_space<vmem>>, vector<512x128xf32>
      tpu.vector_store %arg18[%swap3A_90, %swap3A_91], %broadcast_in_dim3A_89 {strides = array<i32>} : memref<512x128xf32, #tpu.memory_space<vmem>>, vector<512x128xf32>,
      %broadcast_in_dim3A_93 = arith.constant 0.000000e+00 : f32
      %broadcast_in_dim3A_94 = vector.broadcast %broadcast_in_dim3A_93 : f32 to vector<512x128xf32>
      %swap3A_95 = arith.constant 0 : index
      %swap3A_96 = arith.constant 0 : index
      %swap3A_97 = vector.load %arg19[%swap3A_95, %swap3A_96] : memref<512x128xf32, #tpu.memory_space<vmem>>, vector<512x128xf32>
      tpu.vector_store %arg19[%swap3A_95, %swap3A_96], %broadcast_in_dim3A_94 {strides = array<i32>} : memref<512x128xf32, #tpu.memory_space<vmem>>, vector<512x128xf32>,
    } else {
    }
    %get3A = arith.constant 0 : index
    %get3A_2 = arith.constant 0 : index
    %get3A_3 = vector.load %arg3[%get3A, %get3A_2] : memref<128x16384xf32, #tpu.memory_space<vmem>>, vector<128x16384xf32>
    %convert_element_type3A_4 = arith.truncf %get3A_3 : vector<128x16384xf32> to vector<128x16384xbf16>
    %get3A_5 = arith.constant 0 : index
    %get3A_6 = arith.constant 0 : index
    %get3A_7 = vector.load %arg16[%get3A_5, %get3A_6] : memref<16384x128xbf16, #tpu.memory_space<vmem>>, vector<16384x128xbf16>
    %dot_general3A = arith.constant dense<0.000000e+00> : vector<128x128xf32>
    %dot_general3A_8 = tpu.matmul %convert_element_type3A_4, %get3A_7, %dot_general3A {dimension_numbers = #tpu.dot_dimension_numbers<[1], [0], [0], [1], [0, 0, 1, 1], [], []>, transpose_lhs_hint = false} : vector<128x16384xbf16>, vector<16384x128xbf16>, vector<128x128xf32> -> vector<128x128xf32>
    %get3A_9 = arith.constant 0 : index
    %get3A_10 = arith.constant 0 : index
    %get3A_11 = vector.load %arg7[%get3A_9, %get3A_10] : memref<128x128xf32, #tpu.memory_space<vmem>>, vector<128x128xf32>
    %dot_general3A_12 = arith.constant dense<0.000000e+00> : vector<128x128xf32>
    %dot_general3A_13 = tpu.matmul %dot_general3A_8, %get3A_11, %dot_general3A_12 {dimension_numbers = #tpu.dot_dimension_numbers<[1], [0], [0], [1], [0, 0, 1, 1], [], []>, transpose_lhs_hint = false} : vector<128x128xf32>, vector<128x128xf32>, vector<128x128xf32> -> vector<128x128xf32>
    %get3A_14 = arith.constant 0 : index
    %get3A_15 = arith.constant 0 : index
    %get3A_16 = vector.load %arg5[%get3A_14, %get3A_15] : memref<128x128xf32, #tpu.memory_space<vmem>>, vector<128x128xf32>
    %get3A_17 = arith.constant 0 : index
    %get3A_18 = arith.constant 0 : index
    %get3A_19 = vector.load %arg8[%get3A_17, %get3A_18] : memref<128x128xf32, #tpu.memory_space<vmem>>, vector<128x128xf32>
    %dot_general3A_20 = arith.constant dense<0.000000e+00> : vector<128x128xf32>
    %dot_general3A_21 = tpu.matmul %get3A_16, %get3A_19, %dot_general3A_20 {dimension_numbers = #tpu.dot_dimension_numbers<[1], [0], [0], [1], [0, 0, 1, 1], [], []>, transpose_lhs_hint = false} : vector<128x128xf32>, vector<128x128xf32>, vector<128x128xf32> -> vector<128x128xf32>
    %add3A = arith.addf %dot_general3A_13, %dot_general3A_21 : vector<128x128xf32>
    %convert_element_type3A_22 = arith.truncf %add3A : vector<128x128xf32> to vector<128x128xbf16>
    %iota3A = tpu.iota {dimensions = array<i32: 1>} : vector<2048x128xi32>
    %mul3A = arith.constant 128 : i32
    %mul3A_23 = arith.muli %arg0, %mul3A : i32
    %add3A_24 = vector.broadcast %mul3A_23 : i32 to vector<2048x128xi32>
    %add3A_25 = arith.addi %iota3A, %add3A_24 : vector<2048x128xi32>
    %get3A_26 = arith.constant 0 : index
    %get3A_27 = arith.constant 0 : index
    %get3A_28 = vector.load %arg1[%get3A_26, %get3A_27] : memref<2048x1xi32, #tpu.memory_space<vmem>>, vector<2048x1xi32>
    %eq3A_29 = vector.broadcast %get3A_28 : vector<2048x1xi32> to vector<2048x128xi32>
    %eq3A_30 = arith.cmpi eq, %add3A_25, %eq3A_29 : vector<2048x128xi32>
    %convert_element_type3A_31 = arith.extui %eq3A_30 : vector<2048x128xi1> to vector<2048x128xi32>
    %convert_element_type3A_32 = arith.sitofp %convert_element_type3A_31 : vector<2048x128xi32> to vector<2048x128xf32>
    %convert_element_type3A_33 = arith.truncf %convert_element_type3A_32 : vector<2048x128xf32> to vector<2048x128xbf16>
    %get3A_34 = arith.constant 0 : index
    %get3A_35 = arith.constant 0 : index
    %get3A_36 = vector.load %arg17[%get3A_34, %get3A_35] : memref<512x2048xbf16, #tpu.memory_space<vmem>>, vector<512x2048xbf16>
    %dot_general3A_37 = arith.constant dense<0.000000e+00> : vector<512x128xf32>
    %dot_general3A_38 = tpu.matmul %get3A_36, %convert_element_type3A_33, %dot_general3A_37 {dimension_numbers = #tpu.dot_dimension_numbers<[1], [0], [0], [1], [0, 0, 1, 1], [], []>, transpose_lhs_hint = false} : vector<512x2048xbf16>, vector<2048x128xbf16>, vector<512x128xf32> -> vector<512x128xf32>
    %get3A_39 = arith.constant 0 : index
    %get3A_40 = arith.constant 0 : index
    %get3A_41 = vector.load %arg18[%get3A_39, %get3A_40] : memref<512x128xf32, #tpu.memory_space<vmem>>, vector<512x128xf32>
    %convert_element_type3A_42 = arith.truncf %dot_general3A_38 : vector<512x128xf32> to vector<512x128xbf16>
    %dot_general3A_43 = arith.constant dense<0.000000e+00> : vector<512x128xf32>
    %dot_general3A_44 = tpu.matmul %convert_element_type3A_42, %convert_element_type3A_22, %dot_general3A_43 {dimension_numbers = #tpu.dot_dimension_numbers<[1], [0], [0], [1], [0, 0, 1, 1], [], []>, transpose_lhs_hint = false} : vector<512x128xbf16>, vector<128x128xbf16>, vector<512x128xf32> -> vector<512x128xf32>
    %add3A_45 = arith.addf %get3A_41, %dot_general3A_44 : vector<512x128xf32>
    %swap3A = arith.constant 0 : index
    %swap3A_46 = arith.constant 0 : index
    %swap3A_47 = vector.load %arg18[%swap3A, %swap3A_46] : memref<512x128xf32, #tpu.memory_space<vmem>>, vector<512x128xf32>
    tpu.vector_store %arg18[%swap3A, %swap3A_46], %add3A_45 {strides = array<i32>} : memref<512x128xf32, #tpu.memory_space<vmem>>, vector<512x128xf32>,
    %iota3A_48 = tpu.iota {dimensions = array<i32: 1>} : vector<512x128xi32>
    %mul3A_49 = arith.constant 128 : i32
    %mul3A_50 = arith.muli %arg0, %mul3A_49 : i32
    %add3A_51 = vector.broadcast %mul3A_50 : i32 to vector<512x128xi32>
    %add3A_52 = arith.addi %iota3A_48, %add3A_51 : vector<512x128xi32>
    %get3A_53 = arith.constant 0 : index
    %get3A_54 = arith.constant 0 : index
    %get3A_55 = vector.load %arg2[%get3A_53, %get3A_54] : memref<512x1xi32, #tpu.memory_space<vmem>>, vector<512x1xi32>
    %eq3A_56 = vector.broadcast %get3A_55 : vector<512x1xi32> to vector<512x128xi32>
    %eq3A_57 = arith.cmpi eq, %add3A_52, %eq3A_56 : vector<512x128xi32>
    %convert_element_type3A_58 = arith.extui %eq3A_57 : vector<512x128xi1> to vector<512x128xi32>
    %convert_element_type3A_59 = arith.sitofp %convert_element_type3A_58 : vector<512x128xi32> to vector<512x128xf32>
    %convert_element_type3A_60 = arith.truncf %convert_element_type3A_59 : vector<512x128xf32> to vector<512x128xbf16>
    %get3A_61 = arith.constant 0 : index
    %get3A_62 = arith.constant 0 : index
    %get3A_63 = vector.load %arg19[%get3A_61, %get3A_62] : memref<512x128xf32, #tpu.memory_space<vmem>>, vector<512x128xf32>
    %dot_general3A_64 = arith.constant dense<0.000000e+00> : vector<512x128xf32>
    %dot_general3A_65 = tpu.matmul %convert_element_type3A_60, %convert_element_type3A_22, %dot_general3A_64 {dimension_numbers = #tpu.dot_dimension_numbers<[1], [0], [0], [1], [0, 0, 1, 1], [], []>, transpose_lhs_hint = false} : vector<512x128xbf16>, vector<128x128xbf16>, vector<512x128xf32> -> vector<512x128xf32>
    %add3A_66 = arith.addf %get3A_63, %dot_general3A_65 : vector<512x128xf32>
    %swap3A_67 = arith.constant 0 : index
    %swap3A_68 = arith.constant 0 : index
    %swap3A_69 = vector.load %arg19[%swap3A_67, %swap3A_68] : memref<512x128xf32, #tpu.memory_space<vmem>>, vector<512x128xf32>
    tpu.vector_store %arg19[%swap3A_67, %swap3A_68], %add3A_66 {strides = array<i32>} : memref<512x128xf32, #tpu.memory_space<vmem>>, vector<512x128xf32>,
    %eq3A_70 = arith.constant 15 : i32
    %eq3A_71 = arith.cmpi eq, %arg0, %eq3A_70 : i32
    %convert_element_type3A_72 = arith.extui %eq3A_71 : i1 to i32
    %cond3A_73 = arith.constant 0 : i32
    %cond3A_74 = arith.cmpi ne, %convert_element_type3A_72, %cond3A_73 : i32
    scf.if %cond3A_74 {
      %get3A_75 = arith.constant 0 : index
      %get3A_76 = arith.constant 0 : index
      %get3A_77 = vector.load %arg18[%get3A_75, %get3A_76] : memref<512x128xf32, #tpu.memory_space<vmem>>, vector<512x128xf32>
      %get3A_78 = arith.constant 0 : index
      %get3A_79 = arith.constant 0 : index
      %get3A_80 = vector.load %arg7[%get3A_78, %get3A_79] : memref<128x128xf32, #tpu.memory_space<vmem>>, vector<128x128xf32>
      %dot_general3A_81 = arith.constant dense<0.000000e+00> : vector<512x128xf32>
      %dot_general3A_82 = tpu.matmul %get3A_77, %get3A_80, %dot_general3A_81 {dimension_numbers = #tpu.dot_dimension_numbers<[1], [0], [0], [1], [0, 0, 1, 1], [], []>, transpose_lhs_hint = false} : vector<512x128xf32>, vector<128x128xf32>, vector<512x128xf32> -> vector<512x128xf32>
      %get3A_83 = arith.constant 0 : index
      %get3A_84 = arith.constant 0 : index
      %get3A_85 = vector.load %arg19[%get3A_83, %get3A_84] : memref<512x128xf32, #tpu.memory_space<vmem>>, vector<512x128xf32>
      %get3A_86 = arith.constant 0 : index
      %get3A_87 = arith.constant 0 : index
      %get3A_88 = vector.load %arg8[%get3A_86, %get3A_87] : memref<128x128xf32, #tpu.memory_space<vmem>>, vector<128x128xf32>
      %dot_general3A_89 = arith.constant dense<0.000000e+00> : vector<512x128xf32>
      %dot_general3A_90 = tpu.matmul %get3A_85, %get3A_88, %dot_general3A_89 {dimension_numbers = #tpu.dot_dimension_numbers<[1], [0], [0], [1], [0, 0, 1, 1], [], []>, transpose_lhs_hint = false} : vector<512x128xf32>, vector<128x128xf32>, vector<512x128xf32> -> vector<512x128xf32>
      %add3A_91 = arith.addf %dot_general3A_82, %dot_general3A_90 : vector<512x128xf32>
      %mul3A_92 = arith.mulf %add3A_91, %add3A_91 : vector<512x128xf32>
      %reduce_sum3A = arith.constant dense<0.000000e+00> : vector<512xf32>
      %reduce_sum3A_93 = vector.multi_reduction <add>, %mul3A_92, %reduce_sum3A [1] : vector<512x128xf32> to vector<512xf32>
      %broadcast_in_dim3A = vector.shape_cast %reduce_sum3A_93 : vector<512xf32> to vector<512x1xf32>
      %max3A = arith.constant 9.99999996E-13 : f32
      %max3A_94 = vector.broadcast %max3A : f32 to vector<512x1xf32>
      %max3A_95 = arith.maximumf %broadcast_in_dim3A, %max3A_94 : vector<512x1xf32>
      %sqrt3A = math.sqrt %max3A_95 : vector<512x1xf32>
      %div3A = vector.broadcast %sqrt3A : vector<512x1xf32> to vector<512x128xf32>
      %div3A_96 = arith.divf %add3A_91, %div3A : vector<512x128xf32>
      %get3A_97 = arith.constant 0 : index
      %get3A_98 = arith.constant 0 : index
      %get3A_99 = vector.load %arg9[%get3A_97, %get3A_98] : memref<128x64xf32, #tpu.memory_space<vmem>>, vector<128x64xf32>
      %dot_general3A_100 = arith.constant dense<0.000000e+00> : vector<512x64xf32>
      %dot_general3A_101 = tpu.matmul %div3A_96, %get3A_99, %dot_general3A_100 {dimension_numbers = #tpu.dot_dimension_numbers<[1], [0], [0], [1], [0, 0, 1, 1], [], []>, transpose_lhs_hint = false} : vector<512x128xf32>, vector<128x64xf32>, vector<512x64xf32> -> vector<512x64xf32>
      %get3A_102 = arith.constant 0 : index
      %get3A_103 = arith.constant 0 : index
      %get3A_104 = vector.load %arg10[%get3A_102, %get3A_103] : memref<1x64xf32, #tpu.memory_space<vmem>>, vector<1x64xf32>
      %add3A_105 = vector.broadcast %get3A_104 : vector<1x64xf32> to vector<512x64xf32>
      %add3A_106 = arith.addf %dot_general3A_101, %add3A_105 : vector<512x64xf32>
      %max3A_107 = arith.constant 0.000000e+00 : f32
      %max3A_108 = vector.broadcast %max3A_107 : f32 to vector<512x64xf32>
      %max3A_109 = arith.maximumf %add3A_106, %max3A_108 : vector<512x64xf32>
      %get3A_110 = arith.constant 0 : index
      %get3A_111 = arith.constant 0 : index
      %get3A_112 = vector.load %arg11[%get3A_110, %get3A_111] : memref<64x64xf32, #tpu.memory_space<vmem>>, vector<64x64xf32>
      %dot_general3A_113 = arith.constant dense<0.000000e+00> : vector<512x64xf32>
      %dot_general3A_114 = tpu.matmul %max3A_109, %get3A_112, %dot_general3A_113 {dimension_numbers = #tpu.dot_dimension_numbers<[1], [0], [0], [1], [0, 0, 1, 1], [], []>, transpose_lhs_hint = false} : vector<512x64xf32>, vector<64x64xf32>, vector<512x64xf32> -> vector<512x64xf32>
      %get3A_115 = arith.constant 0 : index
      %get3A_116 = arith.constant 0 : index
      %get3A_117 = vector.load %arg12[%get3A_115, %get3A_116] : memref<1x64xf32, #tpu.memory_space<vmem>>, vector<1x64xf32>
      %add3A_118 = vector.broadcast %get3A_117 : vector<1x64xf32> to vector<512x64xf32>
      %add3A_119 = arith.addf %dot_general3A_114, %add3A_118 : vector<512x64xf32>
      %max3A_120 = arith.constant 0.000000e+00 : f32
      %max3A_121 = vector.broadcast %max3A_120 : f32 to vector<512x64xf32>
      %max3A_122 = arith.maximumf %add3A_119, %max3A_121 : vector<512x64xf32>
      %get3A_123 = arith.constant 0 : index
      %get3A_124 = arith.constant 0 : index
      %get3A_125 = vector.load %arg13[%get3A_123, %get3A_124] : memref<64x8xf32, #tpu.memory_space<vmem>>, vector<64x8xf32>
      %dot_general3A_126 = arith.constant dense<0.000000e+00> : vector<512x8xf32>
      %dot_general3A_127 = tpu.matmul %max3A_122, %get3A_125, %dot_general3A_126 {dimension_numbers = #tpu.dot_dimension_numbers<[1], [0], [0], [1], [0, 0, 1, 1], [], []>, transpose_lhs_hint = false} : vector<512x64xf32>, vector<64x8xf32>, vector<512x8xf32> -> vector<512x8xf32>
      %get3A_128 = arith.constant 0 : index
      %get3A_129 = arith.constant 0 : index
      %get3A_130 = vector.load %arg14[%get3A_128, %get3A_129] : memref<1x8xf32, #tpu.memory_space<vmem>>, vector<1x8xf32>
      %add3A_131 = vector.broadcast %get3A_130 : vector<1x8xf32> to vector<512x8xf32>
      %add3A_132 = arith.addf %dot_general3A_127, %add3A_131 : vector<512x8xf32>
      %swap3A_133 = arith.constant 0 : index
      %swap3A_134 = arith.constant 0 : index
      %swap3A_135 = vector.load %arg15[%swap3A_133, %swap3A_134] : memref<512x8xf32, #tpu.memory_space<vmem>>, vector<512x8xf32>
      tpu.vector_store %arg15[%swap3A_133, %swap3A_134], %add3A_132 {strides = array<i32>} : memref<512x8xf32, #tpu.memory_space<vmem>>, vector<512x8xf32>,
    } else {
    }
    return
  }
  func.func @transform_0(%arg0: i32) -> (i32, i32) {
    %c0_i32 = arith.constant 0 : i32
    %c0_i32_0 = arith.constant 0 : i32
    %c0_i32_1 = arith.constant 0 : i32
    return %c0_i32, %c0_i32_0 : i32, i32
  }
  func.func @transform_1(%arg0: i32) -> (i32, i32) {
    %c0_i32 = arith.constant 0 : i32
    %c0_i32_0 = arith.constant 0 : i32
    %c0_i32_1 = arith.constant 0 : i32
    return %c0_i32, %c0_i32_0 : i32, i32
  }
  func.func @transform_2(%arg0: i32) -> (i32, i32) {
    %c0_i32 = arith.constant 0 : i32
    %c0_i32_0 = arith.constant 0 : i32
    return %arg0, %c0_i32 : i32, i32
  }
  func.func @transform_3(%arg0: i32) -> (i32, i32) {
    %c0_i32 = arith.constant 0 : i32
    %c0_i32_0 = arith.constant 0 : i32
    %c0_i32_1 = arith.constant 0 : i32
    return %c0_i32, %c0_i32_0 : i32, i32
  }
  func.func @transform_4(%arg0: i32) -> (i32, i32) {
    %c0_i32 = arith.constant 0 : i32
    %c0_i32_0 = arith.constant 0 : i32
    return %arg0, %c0_i32 : i32, i32
  }
  func.func @transform_5(%arg0: i32) -> (i32, i32) {
    %c0_i32 = arith.constant 0 : i32
    %c0_i32_0 = arith.constant 0 : i32
    %c0_i32_1 = arith.constant 0 : i32
    return %c0_i32, %c0_i32_0 : i32, i32
  }
  func.func @transform_6(%arg0: i32) -> (i32, i32) {
    %c0_i32 = arith.constant 0 : i32
    %c0_i32_0 = arith.constant 0 : i32
    %c0_i32_1 = arith.constant 0 : i32
    return %c0_i32, %c0_i32_0 : i32, i32
  }
  func.func @transform_7(%arg0: i32) -> (i32, i32) {
    %c0_i32 = arith.constant 0 : i32
    %c0_i32_0 = arith.constant 0 : i32
    %c0_i32_1 = arith.constant 0 : i32
    return %c0_i32, %c0_i32_0 : i32, i32
  }
  func.func @transform_8(%arg0: i32) -> (i32, i32) {
    %c0_i32 = arith.constant 0 : i32
    %c0_i32_0 = arith.constant 0 : i32
    %c0_i32_1 = arith.constant 0 : i32
    return %c0_i32, %c0_i32_0 : i32, i32
  }
  func.func @transform_9(%arg0: i32) -> (i32, i32) {
    %c0_i32 = arith.constant 0 : i32
    %c0_i32_0 = arith.constant 0 : i32
    %c0_i32_1 = arith.constant 0 : i32
    return %c0_i32, %c0_i32_0 : i32, i32
  }
  func.func @transform_10(%arg0: i32) -> (i32, i32) {
    %c0_i32 = arith.constant 0 : i32
    %c0_i32_0 = arith.constant 0 : i32
    %c0_i32_1 = arith.constant 0 : i32
    return %c0_i32, %c0_i32_0 : i32, i32
  }
  func.func @transform_11(%arg0: i32) -> (i32, i32) {
    %c0_i32 = arith.constant 0 : i32
    %c0_i32_0 = arith.constant 0 : i32
    %c0_i32_1 = arith.constant 0 : i32
    return %c0_i32, %c0_i32_0 : i32, i32
  }
  func.func @transform_12(%arg0: i32) -> (i32, i32) {
    %c0_i32 = arith.constant 0 : i32
    %c0_i32_0 = arith.constant 0 : i32
    %c0_i32_1 = arith.constant 0 : i32
    return %c0_i32, %c0_i32_0 : i32, i32
  }
  func.func @transform_13(%arg0: i32) -> (i32, i32) {
    %c0_i32 = arith.constant 0 : i32
    %c0_i32_0 = arith.constant 0 : i32
    %c0_i32_1 = arith.constant 0 : i32
    return %c0_i32, %c0_i32_0 : i32, i32
  }
  func.func @transform_14(%arg0: i32) -> (i32, i32) {
    %c0_i32 = arith.constant 0 : i32
    %c0_i32_0 = arith.constant 0 : i32
    %c0_i32_1 = arith.constant 0 : i32
    return %c0_i32, %c0_i32_0 : i32, i32
  }
}

</mosaic_0001>

<sc_bundles>
// kernel: kernel.4.cloned.1.call-start
scs
__scs_entry_jumppad:
0x0: {  	(pc) =	sbr.rel $0x88, $3  }
0x1: {  	(tag) =	ssettag $0x0;
	lr =	simm.s32 $0x1  }
0x2: {  	[smem:$0x3F92] =	sst lr;
	_ =	strace $0xD0000000  }
0x3: {  	_ = 	snop  }
0x4: {  	_ = 	snop  }
0x5: {  	_ = 	snop  }
0x6: {  	_ = 	snop  }
0x7: {  	_ = 	snop  }
__scs_overlays_trampoline_lowered:
0x8: {  	[smem:$0x3FA1] =	sst s0  }
0x9: {  	[smem:$0x3FA2] =	sst s1  }
0xa: {  	[smem:$0x3FA3] =	sst s2  }
0xb: {  	[smem:$0x3FA4] =	sst s3  }
0xc: {  	[smem:$0x3FA5] =	sst s4  }
0xd: {  	[smem:$0x3FA6] =	sst s5  }
0xe: {  	[smem:$0x3FA7] =	sst s6  }
0xf: {  	[smem:$0x3FA8] =	sst s7  }
0x10: {  	[smem:$0x3FA9] =	sst s8  }
0x11: {  	[smem:$0x3FAA] =	sst s9;
	s0 =	simm.s32 @!p0 $0x0  }
0x12: {  	s1 =	sld [smem:$0x3F90];
	s0 =	simm.s32 @p0 $0x1  }
0x13: {  	[smem:$0x3FAB] =	sst s0;
	s0 =	simm.s32 @!p1 $0x0  }
0x14: {  	s2 =	sld [smem:$0x3F8F];
	s0 =	simm.s32 @p1 $0x1  }
0x15: {  	[smem:$0x3FAC] =	sst s0;
	s0 =	simm.s32 @!p2 $0x0  }
0x16: {  	s3 =	sld [smem:$0x3FDB];
	s0 =	simm.s32 @p2 $0x1  }
0x17: {  	s4 =	simm.s32 $0x1BF5;
	[smem:$0x3FAE] =	sst s0  }
0x18: {  	s0 =	sld [smem:$0x3F91];
	_ =	swait.ge [sflag:s4], $0x0  }
0x19: {  	s7 =	sld [smem:$0x3F92]  }
0x1a: {  	s8 =	sadd.s32 $0xFFFFE003, lr  }
0x1b: {  	s9 =	sadd.s32 $0xFFFFFEF7, lr;
	s5 =	simm.s32 $0xFFFFFFFF;
	p2 =	slt.u32 s8, $0xFFFFF086  }
0x1c: {  	p1 =	slt.u32 s9, $0xF7A;
	s5 =	simm.s32 @!p2 $0x0  }
0x1d: {  	s5 =	simm.s32 @p1 $0x1;
	p0 =	seq.s32 s7, s2  }
0x1e: {  	s7 =	smul.u32 @!p0 $0xF7A, s2;
	p2 =	seq.s32 @!p0 s5, $0x0  }
0x1f: {  	s9 =	smul.u32 $0xF7A, s1;
	s8 =	simm.s32 @!p0 $0x1BF5;
	p2 =	por !p2, p0  }
0x20: {  	[sflag:s8] =	ssyncset.s32 @!p0 $0xFFFFF086;
	s6 =	sadd.s32 @!p0 s3, s7;
	s7 =	simm.s32 @!p0 $0x108  }
0x21: {  	s3 =	sadd.s32 s3, s9;
	s6 =	sadd.s32 @!p0 $0x88, s6;
	s7 =	simm.s32 @p2 $0x1082  }
0x22: {  	[simem:s7], [sflag:s8] =	dma.local @!p0 [hbm:s6], $0xF7A  }
0x23: {  	s9 =	sor.u32 $0xD0000000, s2;
	s6 =	simm.s32 $0x108;
	_ =	swait.ge @!p0 [sflag:s8], $0x0  }
0x24: {  	s3 =	sadd.s32 $0x88, s3;
	s6 =	simm.s32 @!p1 $0x1082;
	[sflag:s4] =	ssyncset.s32 $0xFFFFF086  }
0x25: {  	[simem:s6], [sflag:s4] =	dma.local [hbm:s3], $0xF7A  }
0x26: {  	[smem:$0x3F92] =	sst s1;
	(tag) =	ssettag s2;
	_ =	strace s9  }
0x27: {  	s1 =	sld [smem:$0x3FA2]  }
0x28: {  	s2 =	sld [smem:$0x3FA3]  }
0x29: {  	s4 =	sld [smem:$0x3FA5]  }
0x2a: {  	p0 =	seq.s32 s5, $0x0;
	s5 =	sld [smem:$0x3FA6]  }
0x2b: {  	s6 =	sld [smem:$0x3FA7]  }
0x2c: {  	s7 =	sld [smem:$0x3FA8]  }
0x2d: {  	s3 =	simm.s32 $0x108;
	s8 =	sld [smem:$0x3FA9]  }
0x2e: {  	s3 =	simm.s32 @!p0 $0x1082;
	s9 =	sld [smem:$0x3FAA]  }
0x2f: {  	lr =	sadd.s32 s0, s3;
	s0 =	sld [smem:$0x3FA1]  }
0x30: {  	s3 =	sld [smem:$0x3FA4]  }
0x31: {  	[smem:$0x3FAD] =	sst s10  }
0x32: {  	s10 =	sld [smem:$0x3FAB];
	_ =	sdelay $0x3  }
0x33: {  	p0 =	seq.s32 s10, $0x1;
	s10 =	sld [smem:$0x3FAD];
	_ =	sdelay $0x3  }
0x34: {  	[smem:$0x3FAD] =	sst s10  }
0x35: {  	s10 =	sld [smem:$0x3FAC];
	_ =	sdelay $0x3  }
0x36: {  	p1 =	seq.s32 s10, $0x1;
	s10 =	sld [smem:$0x3FAD];
	_ =	sdelay $0x3  }
0x37: {  	[smem:$0x3FAD] =	sst s10  }
0x38: {  	s10 =	sld [smem:$0x3FAE]  }
0x39: {  	_ = 	snop;
	(pc) =	sbr.ind lr, $3  }
0x3a: {  	_ = 	snop  }
0x3b: {  	_ = 	snop  }
0x3c: {  	p2 =	seq.s32 s10, $0x1;
	s10 =	sld [smem:$0x3FAD]  }
0x3d: {  	_ =	shalt  }
0x3e: {  	_ =	shalt  }
0x3f: {  	_ =	shalt  }
0x40: {  	_ =	shalt  }
0x41: {  	_ =	shalt  }
0x42: {  	_ =	shalt  }
0x43: {  	_ =	shalt  }
0x44: {  	_ =	shalt  }
0x45: {  	_ =	shalt  }
0x46: {  	_ =	shalt  }
0x47: {  	_ =	shalt  }
0x48: {  	_ =	shalt  }
0x49: {  	_ =	shalt  }
0x4a: {  	_ =	shalt  }
0x4b: {  	_ =	shalt  }
0x4c: {  	_ =	shalt  }
0x4d: {  	_ =	shalt  }
0x4e: {  	_ =	shalt  }
0x4f: {  	_ =	shalt  }
0x50: {  	_ =	shalt  }
0x51: {  	_ =	shalt  }
0x52: {  	_ =	shalt  }
0x53: {  	_ =	shalt  }
0x54: {  	_ =	shalt  }
0x55: {  	_ =	shalt  }
0x56: {  	_ =	shalt  }
0x57: {  	_ =	shalt  }
0x58: {  	_ =	shalt  }
0x59: {  	_ =	shalt  }
0x5a: {  	_ =	shalt  }
0x5b: {  	_ =	shalt  }
0x5c: {  	_ =	shalt  }
0x5d: {  	_ =	shalt  }
0x5e: {  	_ =	shalt  }
0x5f: {  	_ =	shalt  }
0x60: {  	_ =	shalt  }
0x61: {  	_ =	shalt  }
0x62: {  	_ =	shalt  }
0x63: {  	_ =	shalt  }
0x64: {  	_ =	shalt  }
0x65: {  	_ =	shalt  }
0x66: {  	_ =	shalt  }
0x67: {  	_ =	shalt  }
0x68: {  	_ =	shalt  }
0x69: {  	_ =	shalt  }
0x6a: {  	_ =	shalt  }
0x6b: {  	_ =	shalt  }
0x6c: {  	_ =	shalt  }
0x6d: {  	_ =	shalt  }
0x6e: {  	_ =	shalt  }
0x6f: {  	_ =	shalt  }
0x70: {  	_ =	shalt  }
0x71: {  	_ =	shalt  }
0x72: {  	_ =	shalt  }
0x73: {  	_ =	shalt  }
0x74: {  	_ =	shalt  }
0x75: {  	_ =	shalt  }
0x76: {  	_ =	shalt  }
0x77: {  	_ =	shalt  }
0x78: {  	_ =	shalt  }
0x79: {  	_ =	shalt  }
0x7a: {  	_ =	shalt  }
0x7b: {  	_ =	shalt  }
0x7c: {  	_ =	shalt  }
0x7d: {  	_ =	shalt  }
0x7e: {  	_ =	shalt  }
0x7f: {  	_ =	shalt  }
0x80: {  	_ =	shalt  }
0x81: {  	_ =	shalt  }
0x82: {  	_ =	shalt  }
0x83: {  	_ =	shalt  }
0x84: {  	_ =	shalt  }
0x85: {  	_ =	shalt  }
0x86: {  	_ =	shalt  }
0x87: {  	_ =	shalt  }
.Lfunc_end0:
.L_simem_size_0:
called_computation_lowered:
.L_overlay_start_0:
0x88: {  	s2 =	sld [smem:$0x3FD9]  }
0x89: {  	s3 =	sld [smem:$0x3FFE];
	_ =	sdelay $0x1  }
0x8a: {  	s1 =	srdreg.scid  }
0x8b: {  	s0 =	sand.u32 $0x1, s1  }
0x8c: {  	s17 =	sshll.u32 s0, $0xA;
	s2 =	sadd.s32 s3, s2  }
0x8d: {  	s2 =	sadd.s32 s2, s17  }
0x8e: {  	[smem:$0x3FB9] =	sst s2  }
0x8f: {  	_ = 	snop  }
0x90: {  	s2 =	sld [smem:$0x3FC9]  }
0x91: {  	s18 =	sld [smem:$0x3FC8]  }
0x92: {  	s4 =	sld [smem:$0x3FC7]  }
0x93: {  	s5 =	sld [smem:$0x3FC6];
	(tm) =	ssettm $0x1  }
0x94: {  	s6 =	sld [smem:$0x3FFB];
	_ =	sdelay $0x3  }
0x95: {  	_ =	strace s6  }
0x96: {  	s6 =	sld [smem:$0x3FFC];
	_ =	sdelay $0x3  }
0x97: {  	_ =	strace s6  }
0x98: {  	s6 =	sld [smem:$0x3FFD];
	_ =	sdelay $0x3  }
0x99: {  	_ =	strace s6  }
0x9a: {  	_ =	strace $0x8FFFFFFF  }
0x9b: {  	s19 =	sld [smem:$0x3FDB];
	_ =	sdelay $0x1  }
0x9c: {  	s7 =	simm.s32 $_scs_section_size  }
0x9d: {  	s8 =	simm.s32 $_size__tile_overlayer_lowered;
	s9 =	simm.s32 $_tile_overlayer_lowered  }
0x9e: {  	s22 =	simm.s32 $0x1BFF;
	s21 =	sshll.u32 s9, $0x1;
	s6 =	sadd.s32 s7, s19  }
0x9f: {  	s10 =	simm.s32 $0x0;
	s20 =	sshll.u32 s8, $0x1;
	s8 =	sadd.s32 s21, s6  }
0xa0: {  	[timem:s10], [sflag:s22] =	dma.local [hbm:s8], s20  }
0xa1: {  	_ =	swait.ge [sflag:s22], s20  }
0xa2: {  	s7 =	ssub.s32 $0x0, s20;
	[sflag:s22] =	ssyncset.done $0x0  }
0xa3: {  	[sflag:s22] =	ssyncadd.s32 s7;
	_ =	sdelay $0x1  }
0xa4: {  	s23 =	simm.s32 $0x1B8B  }
0xa5: {  	_ =	swait.ge [sflag:s23], $0x1  }
0xa6: {  	[sflag:s23] =	ssyncset.done $0x0  }
0xa7: {  	s25 =	simm.s32 $0x1B8E;
	s24 =	sld [smem:$0x3FFE];
	[sflag:s23] =	ssyncadd.s32 $0xFFFFFFFF  }
0xa8: {  	s26 =	simm.s32 $execute0_lowered;
	[smem:$0x3FD2] =	sst s25  }
0xa9: {  	s8 =	sshll.u32 s26, $0x1;
	_ =	strace $0x80000046;
	[dreg:$0x1] =	wrdreg $0xFFFFFFFF  }
0xaa: {  	s28 =	simm.s32 $_size_execute0_lowered;
	s6 =	sadd.s32 s6, s8;
	[dreg:$0x0] =	wrdreg $0x0  }
0xab: {  	s8 =	sshll.u32 s28, $0x1;
	[dreg:$0x2] =	wrdreg s6  }
0xac: {  	[dreg:$0x3] =	wrdreg s8  }
0xad: {  	[dreg:$0x4] =	wrdreg $0xC0  }
0xae: {  	_ =	task [dreg:s10], $0x5FFFF  }
0xaf: {  	[dreg:$0x1] =	wrdreg $0xFFFFFFFF  }
0xb0: {  	[dreg:$0x0] =	wrdreg $0x60  }
0xb1: {  	[dreg:$0x2] =	wrdreg s2  }
0xb2: {  	[dreg:$0x3] =	wrdreg s18  }
0xb3: {  	[dreg:$0x4] =	wrdreg s4  }
0xb4: {  	[dreg:$0x5] =	wrdreg s5  }
0xb5: {  	[dreg:$0x6] =	wrdreg s24  }
0xb6: {  	[dreg:$0x7] =	wrdreg $0x9  }
0xb7: {  	_ =	task.clear_ibuf [dreg:s10], $0x8FFFF;
	_ =	strace $0x90000046  }
0xb8: {  	s29 =	simm.s32 $0x9;
	_ =	strace $0x80000048  }
0xb9: {  	_ =	swait.ge [sflag:s29], $0x1  }
0xba: {  	[sflag:s29] =	ssyncadd.s32 $0xFFFFFFFF  }
0xbb: {  	_ =	strace $0x90000048  }
0xbc: {  	_ =	sfence  }
0xbd: {  	s30 =	sld [smem:$0x0];
	_ =	sdelay $0x2  }
0xbe: {  	s31 =	sshll.u32 s1, $0xD;
	s1 =	sshrl.u32 s1, $0x2  }
0xbf: {  	s3 =	sand.u32 $0x4000, s31;
	s1 =	sadd.s32 s1, s30  }
0xc0: {  	s0 =	sor.u32 s3, s0;
	s1 =	sshll.u32 s1, $0x11  }
0xc1: {  	s0 =	sor.u32 s1, s0  }
0xc2: {  	s0 =	sadd.s32 $0x8F2B, s0  }
0xc3: {  	[sflag:s0] =	ssyncadd.remote.s32 $0x1  }
0xc4: {  	_ =	sfence.sel $0xFFFF  }
0xc5: {  	[dreg:$0x0] =	wrdreg $0xFFFFFFFF;
	(pc) =	sbr.abs _section_cstart, $3  }
0xc6: {  	[dreg:$0x1] =	wrdreg $0xFFFFFFFF  }
0xc7: {  	_ =	task.clear_ibuf [dreg:s10], $0x2FFFF;
	_ =	strace $0x9FFFFFFF  }
0xc8: {  	(tm) =	ssettm $0x7FFFFFFF  }
0xc9: {  	_ =	shalt  }
tec
execute0_lowered:
.L_overlay_start_1:
0x0: {  	(tag) =	ssettag $0x1  }
0x1: {  	s1 =	rddreg [dreg:$0x0]  }
0x2: {  	s2 =	rddreg [dreg:$0x1]  }
0x3: {  	s5 =	rddreg [dreg:$0x2]  }
0x4: {  	s7 =	rddreg [dreg:$0x3]  }
0x5: {  	s26 =	rddreg [dreg:$0x4]  }
0x6: {  	s6 =	srdreg.scid;
	s3 =	stileid.u32  }
0x7: {  	s4 =	simm.s32 $0x0;
	s29 =	sand.u32 $0x1, s6;
	s31 =	sshll.u32 s3, $0x1  }
0x8: {  	[smem:$0x7FF] =	sst s4;
	s28 =	sor.u32 s29, s31  }
0x9: {  	s0 =	rddreg [dreg:$0x5];
	_ =	strace $0x80000047;
	s6 =	sshll.u32 s28, $0x6  }
0xa: {  	[tilespmem:s4], [sflag:$0x1] =	stream.linear.gather [hbm4b:s2+s4], $0x4000, $0x38;
	[tilespmem:$0x16500] =	vst v63  }
0xb: {  	s8 =	sshll.u32 s28, $0x3;
	s5 =	sadd.s32 s5, s6;
	s6 =	simm.s32 $0x4000  }
0xc: {  	[tilespmem:s6], [sflag:$0x1] =	stream.linear.gather [hbm4b:s5+s4], $0x200, $0x38;
	[tilespmem:$0x16500] =	vst v63  }
0xd: {  	s9 =	simm.s32 $0x1;
	s7 =	sadd.s32 s7, s8;
	s8 =	simm.s32 $0x14400  }
0xe: {  	[tilespmem:s8], [sflag:$0x1] =	stream.linear.gather [hbm4b:s7+s4], $0x40, $0x38;
	[tilespmem:$0x16500] =	vst v63  }
0xf: {  	_ =	swait.ge [sflag:s9], $0x4000  }
0x10: {  	[sflag:s9] =	ssyncset.done $0x0  }
0x11: {  	[sflag:s9] =	ssyncadd.s32 $0xFFFFC000  }
0x12: {  	_ =	swait.ge [sflag:s9], $0x200  }
0x13: {  	[sflag:s9] =	ssyncset.done $0x0  }
0x14: {  	[sflag:s9] =	ssyncadd.s32 $0xFFFFFE00  }
0x15: {  	_ =	swait.ge [sflag:s9], $0x40  }
0x16: {  	[sflag:s9] =	ssyncset.done $0x0  }
0x17: {  	[sflag:s9] =	ssyncadd.s32 $0xFFFFFFC0  }
0x18: {  	v0 =	vld [tilespmem:$0x4000];
	_ =	sdelay $0x5  }
0x19: {  	v1 =	vld [tilespmem:$0x4010];
	_ =	sdelay $0x1  }
0x1a: {  	v0 =	vld.idx.msk [tilespmem:v0+s4+$0x0], $0xffff;
	_ =	sdelay $0x3  }
0x1b: {  	v2 =	vld [tilespmem:$0x4020]  }
0x1c: {  	[tilespmem:$0x4200] =	vst v0  }
0x1d: {  	v0 =	vld.idx.msk [tilespmem:v1+s4+$0x0], $0xffff;
	_ =	sdelay $0x3  }
0x1e: {  	v31 =	vld [tilespmem:$0x4030]  }
0x1f: {  	[tilespmem:$0x4210] =	vst v0  }
0x20: {  	v0 =	vld.idx.msk [tilespmem:v2+s4+$0x0], $0xffff;
	_ =	sdelay $0x3  }
0x21: {  	v32 =	vld [tilespmem:$0x4040]  }
0x22: {  	[tilespmem:$0x4220] =	vst v0  }
0x23: {  	v0 =	vld.idx.msk [tilespmem:v31+s4+$0x0], $0xffff;
	_ =	sdelay $0x3  }
0x24: {  	v33 =	vld [tilespmem:$0x4050]  }
0x25: {  	[tilespmem:$0x4230] =	vst v0  }
0x26: {  	v0 =	vld.idx.msk [tilespmem:v32+s4+$0x0], $0xffff;
	_ =	sdelay $0x3  }
0x27: {  	v34 =	vld [tilespmem:$0x4060]  }
0x28: {  	[tilespmem:$0x4240] =	vst v0  }
0x29: {  	v0 =	vld.idx.msk [tilespmem:v33+s4+$0x0], $0xffff;
	_ =	sdelay $0x3  }
0x2a: {  	v35 =	vld [tilespmem:$0x4070]  }
0x2b: {  	[tilespmem:$0x4250] =	vst v0  }
0x2c: {  	v0 =	vld.idx.msk [tilespmem:v34+s4+$0x0], $0xffff;
	_ =	sdelay $0x3  }
0x2d: {  	v36 =	vld [tilespmem:$0x4080]  }
0x2e: {  	[tilespmem:$0x4260] =	vst v0  }
0x2f: {  	v0 =	vld.idx.msk [tilespmem:v35+s4+$0x0], $0xffff;
	_ =	sdelay $0x3  }
0x30: {  	v37 =	vld [tilespmem:$0x4090]  }
0x31: {  	[tilespmem:$0x4270] =	vst v0  }
0x32: {  	v0 =	vld.idx.msk [tilespmem:v36+s4+$0x0], $0xffff;
	_ =	sdelay $0x3  }
0x33: {  	v38 =	vld [tilespmem:$0x40A0]  }
0x34: {  	[tilespmem:$0x4280] =	vst v0  }
0x35: {  	v0 =	vld.idx.msk [tilespmem:v37+s4+$0x0], $0xffff;
	_ =	sdelay $0x3  }
0x36: {  	v39 =	vld [tilespmem:$0x40B0]  }
0x37: {  	[tilespmem:$0x4290] =	vst v0  }
0x38: {  	v0 =	vld.idx.msk [tilespmem:v38+s4+$0x0], $0xffff;
	_ =	sdelay $0x3  }
0x39: {  	v40 =	vld [tilespmem:$0x40C0]  }
0x3a: {  	[tilespmem:$0x42A0] =	vst v0  }
0x3b: {  	v0 =	vld.idx.msk [tilespmem:v39+s4+$0x0], $0xffff;
	_ =	sdelay $0x3  }
0x3c: {  	v41 =	vld [tilespmem:$0x40D0]  }
0x3d: {  	[tilespmem:$0x42B0] =	vst v0  }
0x3e: {  	v0 =	vld.idx.msk [tilespmem:v40+s4+$0x0], $0xffff;
	_ =	sdelay $0x3  }
0x3f: {  	v42 =	vld [tilespmem:$0x40E0]  }
0x40: {  	[tilespmem:$0x42C0] =	vst v0  }
0x41: {  	v0 =	vld.idx.msk [tilespmem:v41+s4+$0x0], $0xffff;
	_ =	sdelay $0x3  }
0x42: {  	v43 =	vld [tilespmem:$0x40F0]  }
0x43: {  	[tilespmem:$0x42D0] =	vst v0  }
0x44: {  	v0 =	vld.idx.msk [tilespmem:v42+s4+$0x0], $0xffff;
	_ =	sdelay $0x3  }
0x45: {  	v44 =	vld [tilespmem:$0x4100]  }
0x46: {  	[tilespmem:$0x42E0] =	vst v0  }
0x47: {  	v0 =	vld.idx.msk [tilespmem:v43+s4+$0x0], $0xffff;
	_ =	sdelay $0x3  }
0x48: {  	v45 =	vld [tilespmem:$0x4110]  }
0x49: {  	[tilespmem:$0x42F0] =	vst v0  }
0x4a: {  	v0 =	vld.idx.msk [tilespmem:v44+s4+$0x0], $0xffff;
	_ =	sdelay $0x3  }
0x4b: {  	v46 =	vld [tilespmem:$0x4120]  }
0x4c: {  	[tilespmem:$0x4300] =	vst v0  }
0x4d: {  	v0 =	vld.idx.msk [tilespmem:v45+s4+$0x0], $0xffff;
	_ =	sdelay $0x3  }
0x4e: {  	v47 =	vld [tilespmem:$0x4130]  }
0x4f: {  	[tilespmem:$0x4310] =	vst v0  }
0x50: {  	v0 =	vld.idx.msk [tilespmem:v46+s4+$0x0], $0xffff;
	_ =	sdelay $0x3  }
0x51: {  	v48 =	vld [tilespmem:$0x4140]  }
0x52: {  	[tilespmem:$0x4320] =	vst v0  }
0x53: {  	v0 =	vld.idx.msk [tilespmem:v47+s4+$0x0], $0xffff;
	_ =	sdelay $0x3  }
0x54: {  	v49 =	vld [tilespmem:$0x4150]  }
0x55: {  	[tilespmem:$0x4330] =	vst v0  }
0x56: {  	v0 =	vld.idx.msk [tilespmem:v48+s4+$0x0], $0xffff;
	_ =	sdelay $0x3  }
0x57: {  	v50 =	vld [tilespmem:$0x4160]  }
0x58: {  	[tilespmem:$0x4340] =	vst v0  }
0x59: {  	v0 =	vld.idx.msk [tilespmem:v49+s4+$0x0], $0xffff;
	_ =	sdelay $0x3  }
0x5a: {  	v51 =	vld [tilespmem:$0x4170]  }
0x5b: {  	[tilespmem:$0x4350] =	vst v0  }
0x5c: {  	v0 =	vld.idx.msk [tilespmem:v50+s4+$0x0], $0xffff;
	_ =	sdelay $0x3  }
0x5d: {  	v52 =	vld [tilespmem:$0x4180]  }
0x5e: {  	[tilespmem:$0x4360] =	vst v0  }
0x5f: {  	v0 =	vld.idx.msk [tilespmem:v51+s4+$0x0], $0xffff;
	_ =	sdelay $0x3  }
0x60: {  	v53 =	vld [tilespmem:$0x4190]  }
0x61: {  	[tilespmem:$0x4370] =	vst v0  }
0x62: {  	v0 =	vld.idx.msk [tilespmem:v52+s4+$0x0], $0xffff;
	_ =	sdelay $0x3  }
0x63: {  	v54 =	vld [tilespmem:$0x41A0]  }
0x64: {  	[tilespmem:$0x4380] =	vst v0  }
0x65: {  	v0 =	vld.idx.msk [tilespmem:v53+s4+$0x0], $0xffff;
	_ =	sdelay $0x3  }
0x66: {  	v55 =	vld [tilespmem:$0x41B0]  }
0x67: {  	[tilespmem:$0x4390] =	vst v0  }
0x68: {  	v0 =	vld.idx.msk [tilespmem:v54+s4+$0x0], $0xffff;
	_ =	sdelay $0x3  }
0x69: {  	v56 =	vld [tilespmem:$0x41C0]  }
0x6a: {  	[tilespmem:$0x43A0] =	vst v0  }
0x6b: {  	v0 =	vld.idx.msk [tilespmem:v55+s4+$0x0], $0xffff;
	_ =	sdelay $0x3  }
0x6c: {  	v57 =	vld [tilespmem:$0x41D0]  }
0x6d: {  	[tilespmem:$0x43B0] =	vst v0  }
0x6e: {  	v0 =	vld.idx.msk [tilespmem:v56+s4+$0x0], $0xffff;
	_ =	sdelay $0x3  }
0x6f: {  	v58 =	vld [tilespmem:$0x41E0]  }
0x70: {  	[tilespmem:$0x43C0] =	vst v0  }
0x71: {  	v0 =	vld.idx.msk [tilespmem:v57+s4+$0x0], $0xffff;
	_ =	sdelay $0x3  }
0x72: {  	v59 =	vld [tilespmem:$0x41F0]  }
0x73: {  	[tilespmem:$0x43D0] =	vst v0  }
0x74: {  	v0 =	vld.idx.msk [tilespmem:v58+s4+$0x0], $0xffff;
	_ =	sdelay $0x3  }
0x75: {  	v60 =	vld [tilespmem:$0x14400]  }
0x76: {  	[tilespmem:$0x43E0] =	vst v0  }
0x77: {  	v0 =	vld.idx.msk [tilespmem:v59+s4+$0x0], $0xffff;
	_ =	sdelay $0x3  }
0x78: {  	v61 =	vld [tilespmem:$0x14410]  }
0x79: {  	[tilespmem:$0x43F0] =	vst v0  }
0x7a: {  	v0 =	vld.idx.msk [tilespmem:v60+s4+$0x0], $0xffff;
	_ =	sdelay $0x3  }
0x7b: {  	v62 =	vld [tilespmem:$0x14420]  }
0x7c: {  	[tilespmem:$0x14480] =	vst v0  }
0x7d: {  	v0 =	vld.idx.msk [tilespmem:v61+s4+$0x0], $0xffff;
	_ =	sdelay $0x3  }
0x7e: {  	v63 =	vld [tilespmem:$0x14430]  }
0x7f: {  	[tilespmem:$0x14490] =	vst v0  }
0x80: {  	v0 =	vld.idx.msk [tilespmem:v62+s4+$0x0], $0xffff;
	_ =	sdelay $0x4  }
0x81: {  	[tilespmem:$0x144A0] =	vst v0  }
0x82: {  	v0 =	vld.idx.msk [tilespmem:v63+s4+$0x0], $0xffff;
	_ =	sdelay $0x4  }
0x83: {  	s10 =	simm.s32 $0x80;
	s11 =	simm.s32 $0x4200;
	s12 =	simm.s32 $0x4400;
	[tilespmem:$0x144B0] =	vst v0  }
0x84: {  	[tilespmem:s12], [sflag:$0x1] =	stream.indirect.gather [hbm4b:s1+s10], $0x80, s11, s10, $0xb8;
	[tilespmem:$0x16500] =	vst v63  }
0x85: {  	s13 =	simm.s32 $0x4280;
	s14 =	simm.s32 $0x8400  }
0x86: {  	[tilespmem:s14], [sflag:$0x1] =	stream.indirect.gather [hbm4b:s1+s10], $0x80, s13, s10, $0xb8;
	[tilespmem:$0x16500] =	vst v63  }
0x87: {  	s15 =	simm.s32 $0x4300;
	s16 =	simm.s32 $0xC400  }
0x88: {  	[tilespmem:s16], [sflag:$0x1] =	stream.indirect.gather [hbm4b:s1+s10], $0x80, s15, s10, $0xb8;
	[tilespmem:$0x16500] =	vst v63  }
0x89: {  	s17 =	simm.s32 $0x4380;
	s18 =	simm.s32 $0x10400  }
0x8a: {  	[tilespmem:s18], [sflag:$0x1] =	stream.indirect.gather [hbm4b:s1+s10], $0x80, s17, s10, $0xb8;
	[tilespmem:$0x16500] =	vst v63  }
0x8b: {  	s19 =	simm.s32 $0x40;
	s20 =	simm.s32 $0x14480;
	s21 =	simm.s32 $0x14500  }
0x8c: {  	[tilespmem:s21], [sflag:$0x1] =	stream.indirect.gather [hbm4b:s1+s19], $0x80, s20, s19, $0xb8;
	[tilespmem:$0x16500] =	vst v63  }
0x8d: {  	s22 =	sshll.u32 s28, $0xD;
	_ =	swait.ge [sflag:s9], $0x4000  }
0x8e: {  	s25 =	sadd.s32 s22, s26;
	[sflag:s9] =	ssyncset.done $0x0  }
0x8f: {  	s22 =	sadd.s32 $0x1400, s25;
	[sflag:s9] =	ssyncadd.s32 $0xFFFFC000  }
0x90: {  	[hbm4b:s22+s4] =	stream.linear.scatter [tilespmem:s12], [sflag:$0x2], $0x4000, $0x38;
	[tilespmem:$0x16500] =	vst v63  }
0x91: {  	_ =	swait.ge [sflag:s9], $0x4000  }
0x92: {  	[sflag:s9] =	ssyncset.done $0x0  }
0x93: {  	s23 =	sadd.s32 $0x1C00, s25;
	[sflag:s9] =	ssyncadd.s32 $0xFFFFC000  }
0x94: {  	[hbm4b:s23+s4] =	stream.linear.scatter [tilespmem:s14], [sflag:$0x2], $0x4000, $0x38;
	[tilespmem:$0x16500] =	vst v63  }
0x95: {  	_ =	swait.ge [sflag:s9], $0x4000  }
0x96: {  	[sflag:s9] =	ssyncset.done $0x0  }
0x97: {  	s24 =	sadd.s32 $0x2400, s25;
	[sflag:s9] =	ssyncadd.s32 $0xFFFFC000  }
0x98: {  	[hbm4b:s24+s4] =	stream.linear.scatter [tilespmem:s16], [sflag:$0x2], $0x4000, $0x38;
	[tilespmem:$0x16500] =	vst v63  }
0x99: {  	_ =	swait.ge [sflag:s9], $0x4000  }
0x9a: {  	[sflag:s9] =	ssyncset.done $0x0  }
0x9b: {  	s25 =	sadd.s32 $0x2C00, s25;
	[sflag:s9] =	ssyncadd.s32 $0xFFFFC000  }
0x9c: {  	[hbm4b:s25+s4] =	stream.linear.scatter [tilespmem:s18], [sflag:$0x2], $0x4000, $0x38;
	[tilespmem:$0x16500] =	vst v63  }
0x9d: {  	s28 =	sshll.u32 s28, $0xA;
	_ =	swait.ge [sflag:s9], $0x2000  }
0x9e: {  	s26 =	sadd.s32 s28, s26;
	[sflag:s9] =	ssyncset.done $0x0  }
0x9f: {  	s28 =	simm.s32 $0x2;
	s26 =	sadd.s32 $0x41400, s26;
	[sflag:s9] =	ssyncadd.s32 $0xFFFFE000  }
0xa0: {  	[hbm4b:s26+s4] =	stream.linear.scatter [tilespmem:s21], [sflag:$0x2], $0x2000, $0x38;
	[tilespmem:$0x16500] =	vst v63  }
0xa1: {  	_ =	swait.ge [sflag:s28], $0x4000  }
0xa2: {  	[sflag:s28] =	ssyncset.done $0x0  }
0xa3: {  	[sflag:s28] =	ssyncadd.s32 $0xFFFFC000  }
0xa4: {  	_ =	swait.ge [sflag:s28], $0x4000  }
0xa5: {  	s29 =	ssub.s32 $0x2, s29;
	[sflag:s28] =	ssyncset.done $0x0  }
0xa6: {  	s30 =	sshrl.u32 s29, $0x1;
	[sflag:s28] =	ssyncadd.s32 $0xFFFFC000  }
0xa7: {  	s29 =	ssub.s32 s29, s30;
	_ =	swait.ge [sflag:s28], $0x4000  }
0xa8: {  	s29 =	smax.u32 s29, $0x1;
	[sflag:s28] =	ssyncset.done $0x0  }
0xa9: {  	p0 =	sne.s32 s29, $0x1;
	[sflag:s28] =	ssyncadd.s32 $0xFFFFC000  }
.Ltmp0:
0xaa: {  	_ =	swait.ge [sflag:s28], $0x4000;
	(pc) =	sbr.rel @!p0 .LBB2_2-.Ltmp0, $4  }
0xab: {  	[sflag:s28] =	ssyncset.done $0x0  }
0xac: {  	[sflag:s28] =	ssyncadd.s32 $0xFFFFC000  }
0xad: {  	_ =	swait.ge [sflag:s28], $0x2000  }
0xae: {  	s29 =	sadd.s32 $0xFFFFFFFF, s29;
	[sflag:s28] =	ssyncset.done $0x0  }
.LBB2_1:
0xaf: {  	p0 =	sne.s32 s29, $0x1;
	s29 =	sadd.s32 $0xFFFFFFFF, s29;
	[sflag:s28] =	ssyncadd.s32 $0xFFFFE000  }
0xb0: {  	[tilespmem:s4], [sflag:$0x1] =	stream.linear.gather [hbm4b:s2+s4], $0x4000, $0x38;
	[tilespmem:$0x16500] =	vst v63  }
0xb1: {  	_ = 	snop  }
0xb2: {  	[tilespmem:s6], [sflag:$0x1] =	stream.linear.gather [hbm4b:s5+s4], $0x200, $0x38;
	[tilespmem:$0x16500] =	vst v63  }
0xb3: {  	_ = 	snop  }
0xb4: {  	[tilespmem:s8], [sflag:$0x1] =	stream.linear.gather [hbm4b:s7+s4], $0x40, $0x38;
	[tilespmem:$0x16500] =	vst v63  }
0xb5: {  	_ =	swait.ge [sflag:s9], $0x4000  }
0xb6: {  	[sflag:s9] =	ssyncset.done $0x0  }
0xb7: {  	[sflag:s9] =	ssyncadd.s32 $0xFFFFC000  }
0xb8: {  	_ =	swait.ge [sflag:s9], $0x200  }
0xb9: {  	[sflag:s9] =	ssyncset.done $0x0  }
0xba: {  	[sflag:s9] =	ssyncadd.s32 $0xFFFFFE00  }
0xbb: {  	_ =	swait.ge [sflag:s9], $0x40  }
0xbc: {  	[sflag:s9] =	ssyncset.done $0x0  }
0xbd: {  	[sflag:s9] =	ssyncadd.s32 $0xFFFFFFC0  }
0xbe: {  	v0 =	vld [tilespmem:$0x4000];
	_ =	sdelay $0x6  }
0xbf: {  	v1 =	vld [tilespmem:$0x4010]  }
0xc0: {  	v0 =	vld.idx.msk [tilespmem:v0+s4+$0x0], $0xffff;
	_ =	sdelay $0x5  }
0xc1: {  	[tilespmem:$0x4200] =	vst v0;
	v0 =	vld [tilespmem:$0x4020]  }
0xc2: {  	v1 =	vld.idx.msk [tilespmem:v1+s4+$0x0], $0xffff;
	_ =	sdelay $0x5  }
0xc3: {  	[tilespmem:$0x4210] =	vst v1;
	v1 =	vld [tilespmem:$0x4030]  }
0xc4: {  	v0 =	vld.idx.msk [tilespmem:v0+s4+$0x0], $0xffff;
	_ =	sdelay $0x5  }
0xc5: {  	[tilespmem:$0x4220] =	vst v0;
	v0 =	vld [tilespmem:$0x4040]  }
0xc6: {  	v1 =	vld.idx.msk [tilespmem:v1+s4+$0x0], $0xffff;
	_ =	sdelay $0x5  }
0xc7: {  	[tilespmem:$0x4230] =	vst v1;
	v1 =	vld [tilespmem:$0x4050]  }
0xc8: {  	v0 =	vld.idx.msk [tilespmem:v0+s4+$0x0], $0xffff;
	_ =	sdelay $0x5  }
0xc9: {  	[tilespmem:$0x4240] =	vst v0;
	v0 =	vld [tilespmem:$0x4060]  }
0xca: {  	v1 =	vld.idx.msk [tilespmem:v1+s4+$0x0], $0xffff;
	_ =	sdelay $0x5  }
0xcb: {  	[tilespmem:$0x4250] =	vst v1;
	v1 =	vld [tilespmem:$0x4070]  }
0xcc: {  	v0 =	vld.idx.msk [tilespmem:v0+s4+$0x0], $0xffff;
	_ =	sdelay $0x5  }
0xcd: {  	[tilespmem:$0x4260] =	vst v0;
	v0 =	vld [tilespmem:$0x4080]  }
0xce: {  	v1 =	vld.idx.msk [tilespmem:v1+s4+$0x0], $0xffff;
	_ =	sdelay $0x5  }
0xcf: {  	[tilespmem:$0x4270] =	vst v1;
	v1 =	vld [tilespmem:$0x4090]  }
0xd0: {  	v0 =	vld.idx.msk [tilespmem:v0+s4+$0x0], $0xffff;
	_ =	sdelay $0x5  }
0xd1: {  	[tilespmem:$0x4280] =	vst v0;
	v0 =	vld [tilespmem:$0x40A0]  }
0xd2: {  	v1 =	vld.idx.msk [tilespmem:v1+s4+$0x0], $0xffff;
	_ =	sdelay $0x5  }
0xd3: {  	[tilespmem:$0x4290] =	vst v1;
	v1 =	vld [tilespmem:$0x40B0]  }
0xd4: {  	v0 =	vld.idx.msk [tilespmem:v0+s4+$0x0], $0xffff;
	_ =	sdelay $0x5  }
0xd5: {  	[tilespmem:$0x42A0] =	vst v0;
	v0 =	vld [tilespmem:$0x40C0]  }
0xd6: {  	v1 =	vld.idx.msk [tilespmem:v1+s4+$0x0], $0xffff;
	_ =	sdelay $0x5  }
0xd7: {  	[tilespmem:$0x42B0] =	vst v1;
	v1 =	vld [tilespmem:$0x40D0]  }
0xd8: {  	v0 =	vld.idx.msk [tilespmem:v0+s4+$0x0], $0xffff;
	_ =	sdelay $0x5  }
0xd9: {  	[tilespmem:$0x42C0] =	vst v0;
	v0 =	vld [tilespmem:$0x40E0]  }
0xda: {  	v1 =	vld.idx.msk [tilespmem:v1+s4+$0x0], $0xffff;
	_ =	sdelay $0x5  }
0xdb: {  	[tilespmem:$0x42D0] =	vst v1;
	v1 =	vld [tilespmem:$0x40F0]  }
0xdc: {  	v0 =	vld.idx.msk [tilespmem:v0+s4+$0x0], $0xffff;
	_ =	sdelay $0x5  }
0xdd: {  	[tilespmem:$0x42E0] =	vst v0;
	v0 =	vld [tilespmem:$0x4100]  }
0xde: {  	v1 =	vld.idx.msk [tilespmem:v1+s4+$0x0], $0xffff;
	_ =	sdelay $0x5  }
0xdf: {  	[tilespmem:$0x42F0] =	vst v1;
	v1 =	vld [tilespmem:$0x4110]  }
0xe0: {  	v0 =	vld.idx.msk [tilespmem:v0+s4+$0x0], $0xffff;
	_ =	sdelay $0x5  }
0xe1: {  	[tilespmem:$0x4300] =	vst v0;
	v0 =	vld [tilespmem:$0x4120]  }
0xe2: {  	v1 =	vld.idx.msk [tilespmem:v1+s4+$0x0], $0xffff;
	_ =	sdelay $0x5  }
0xe3: {  	[tilespmem:$0x4310] =	vst v1;
	v1 =	vld [tilespmem:$0x4130]  }
0xe4: {  	v0 =	vld.idx.msk [tilespmem:v0+s4+$0x0], $0xffff;
	_ =	sdelay $0x5  }
0xe5: {  	[tilespmem:$0x4320] =	vst v0;
	v0 =	vld [tilespmem:$0x4140]  }
0xe6: {  	v1 =	vld.idx.msk [tilespmem:v1+s4+$0x0], $0xffff;
	_ =	sdelay $0x5  }
0xe7: {  	[tilespmem:$0x4330] =	vst v1;
	v1 =	vld [tilespmem:$0x4150]  }
0xe8: {  	v0 =	vld.idx.msk [tilespmem:v0+s4+$0x0], $0xffff;
	_ =	sdelay $0x5  }
0xe9: {  	[tilespmem:$0x4340] =	vst v0;
	v0 =	vld [tilespmem:$0x4160]  }
0xea: {  	v1 =	vld.idx.msk [tilespmem:v1+s4+$0x0], $0xffff;
	_ =	sdelay $0x5  }
0xeb: {  	[tilespmem:$0x4350] =	vst v1;
	v1 =	vld [tilespmem:$0x4170]  }
0xec: {  	v0 =	vld.idx.msk [tilespmem:v0+s4+$0x0], $0xffff;
	_ =	sdelay $0x5  }
0xed: {  	[tilespmem:$0x4360] =	vst v0;
	v0 =	vld [tilespmem:$0x4180]  }
0xee: {  	v1 =	vld.idx.msk [tilespmem:v1+s4+$0x0], $0xffff;
	_ =	sdelay $0x5  }
0xef: {  	[tilespmem:$0x4370] =	vst v1;
	v1 =	vld [tilespmem:$0x4190]  }
0xf0: {  	v0 =	vld.idx.msk [tilespmem:v0+s4+$0x0], $0xffff;
	_ =	sdelay $0x5  }
0xf1: {  	[tilespmem:$0x4380] =	vst v0;
	v0 =	vld [tilespmem:$0x41A0]  }
0xf2: {  	v1 =	vld.idx.msk [tilespmem:v1+s4+$0x0], $0xffff;
	_ =	sdelay $0x5  }
0xf3: {  	[tilespmem:$0x4390] =	vst v1;
	v1 =	vld [tilespmem:$0x41B0]  }
0xf4: {  	v0 =	vld.idx.msk [tilespmem:v0+s4+$0x0], $0xffff;
	_ =	sdelay $0x5  }
0xf5: {  	[tilespmem:$0x43A0] =	vst v0;
	v0 =	vld [tilespmem:$0x41C0]  }
0xf6: {  	v1 =	vld.idx.msk [tilespmem:v1+s4+$0x0], $0xffff;
	_ =	sdelay $0x5  }
0xf7: {  	[tilespmem:$0x43B0] =	vst v1;
	v1 =	vld [tilespmem:$0x41D0]  }
0xf8: {  	v0 =	vld.idx.msk [tilespmem:v0+s4+$0x0], $0xffff;
	_ =	sdelay $0x5  }
0xf9: {  	[tilespmem:$0x43C0] =	vst v0;
	v0 =	vld [tilespmem:$0x41E0]  }
0xfa: {  	v1 =	vld.idx.msk [tilespmem:v1+s4+$0x0], $0xffff;
	_ =	sdelay $0x5  }
0xfb: {  	[tilespmem:$0x43D0] =	vst v1;
	v1 =	vld [tilespmem:$0x41F0]  }
0xfc: {  	v0 =	vld.idx.msk [tilespmem:v0+s4+$0x0], $0xffff;
	_ =	sdelay $0x5  }
0xfd: {  	[tilespmem:$0x43E0] =	vst v0;
	v0 =	vld [tilespmem:$0x14400]  }
0xfe: {  	v1 =	vld.idx.msk [tilespmem:v1+s4+$0x0], $0xffff;
	_ =	sdelay $0x5  }
0xff: {  	[tilespmem:$0x43F0] =	vst v1;
	v1 =	vld [tilespmem:$0x14410]  }
0x100: {  	v0 =	vld.idx.msk [tilespmem:v0+s4+$0x0], $0xffff;
	_ =	sdelay $0x5  }
0x101: {  	[tilespmem:$0x14480] =	vst v0;
	v0 =	vld [tilespmem:$0x14420]  }
0x102: {  	v1 =	vld.idx.msk [tilespmem:v1+s4+$0x0], $0xffff;
	_ =	sdelay $0x5  }
0x103: {  	[tilespmem:$0x14490] =	vst v1;
	v1 =	vld [tilespmem:$0x14430]  }
0x104: {  	v0 =	vld.idx.msk [tilespmem:v0+s4+$0x0], $0xffff;
	_ =	sdelay $0x5  }
0x105: {  	[tilespmem:$0x144A0] =	vst v0  }
0x106: {  	v0 =	vld.idx.msk [tilespmem:v1+s4+$0x0], $0xffff;
	_ =	sdelay $0x5  }
0x107: {  	[tilespmem:$0x144B0] =	vst v0  }
0x108: {  	[tilespmem:s12], [sflag:$0x1] =	stream.indirect.gather [hbm4b:s1+s10], $0x80, s11, s10, $0xb8;
	[tilespmem:$0x16500] =	vst v63  }
0x109: {  	_ = 	snop  }
0x10a: {  	[tilespmem:s14], [sflag:$0x1] =	stream.indirect.gather [hbm4b:s1+s10], $0x80, s13, s10, $0xb8;
	[tilespmem:$0x16500] =	vst v63  }
0x10b: {  	_ = 	snop  }
0x10c: {  	[tilespmem:s16], [sflag:$0x1] =	stream.indirect.gather [hbm4b:s1+s10], $0x80, s15, s10, $0xb8;
	[tilespmem:$0x16500] =	vst v63  }
0x10d: {  	_ = 	snop  }
0x10e: {  	[tilespmem:s18], [sflag:$0x1] =	stream.indirect.gather [hbm4b:s1+s10], $0x80, s17, s10, $0xb8;
	[tilespmem:$0x16500] =	vst v63  }
0x10f: {  	_ = 	snop  }
0x110: {  	[tilespmem:s21], [sflag:$0x1] =	stream.indirect.gather [hbm4b:s1+s19], $0x80, s20, s19, $0xb8;
	[tilespmem:$0x16500] =	vst v63  }
0x111: {  	_ =	swait.ge [sflag:s9], $0x4000  }
0x112: {  	[sflag:s9] =	ssyncset.done $0x0  }
0x113: {  	[sflag:s9] =	ssyncadd.s32 $0xFFFFC000  }
0x114: {  	[hbm4b:s22+s4] =	stream.linear.scatter [tilespmem:s12], [sflag:$0x2], $0x4000, $0x38;
	[tilespmem:$0x16500] =	vst v63  }
0x115: {  	_ =	swait.ge [sflag:s9], $0x4000  }
0x116: {  	[sflag:s9] =	ssyncset.done $0x0  }
0x117: {  	[sflag:s9] =	ssyncadd.s32 $0xFFFFC000  }
0x118: {  	[hbm4b:s23+s4] =	stream.linear.scatter [tilespmem:s14], [sflag:$0x2], $0x4000, $0x38;
	[tilespmem:$0x16500] =	vst v63  }
0x119: {  	_ =	swait.ge [sflag:s9], $0x4000  }
0x11a: {  	[sflag:s9] =	ssyncset.done $0x0  }
0x11b: {  	[sflag:s9] =	ssyncadd.s32 $0xFFFFC000  }
0x11c: {  	[hbm4b:s24+s4] =	stream.linear.scatter [tilespmem:s16], [sflag:$0x2], $0x4000, $0x38;
	[tilespmem:$0x16500] =	vst v63  }
0x11d: {  	_ =	swait.ge [sflag:s9], $0x4000  }
0x11e: {  	[sflag:s9] =	ssyncset.done $0x0  }
0x11f: {  	[sflag:s9] =	ssyncadd.s32 $0xFFFFC000  }
0x120: {  	[hbm4b:s25+s4] =	stream.linear.scatter [tilespmem:s18], [sflag:$0x2], $0x4000, $0x38;
	[tilespmem:$0x16500] =	vst v63  }
0x121: {  	_ =	swait.ge [sflag:s9], $0x2000  }
0x122: {  	[sflag:s9] =	ssyncset.done $0x0  }
0x123: {  	[sflag:s9] =	ssyncadd.s32 $0xFFFFE000  }
0x124: {  	[hbm4b:s26+s4] =	stream.linear.scatter [tilespmem:s21], [sflag:$0x2], $0x2000, $0x38;
	[tilespmem:$0x16500] =	vst v63  }
0x125: {  	_ =	swait.ge [sflag:s28], $0x4000  }
0x126: {  	[sflag:s28] =	ssyncset.done $0x0  }
0x127: {  	[sflag:s28] =	ssyncadd.s32 $0xFFFFC000  }
0x128: {  	_ =	swait.ge [sflag:s28], $0x4000  }
0x129: {  	[sflag:s28] =	ssyncset.done $0x0  }
0x12a: {  	[sflag:s28] =	ssyncadd.s32 $0xFFFFC000  }
0x12b: {  	_ =	swait.ge [sflag:s28], $0x4000  }
0x12c: {  	[sflag:s28] =	ssyncset.done $0x0  }
0x12d: {  	[sflag:s28] =	ssyncadd.s32 $0xFFFFC000  }
.Ltmp1:
0x12e: {  	_ =	swait.ge [sflag:s28], $0x4000;
	(pc) =	sbr.rel @p0 .LBB2_1-.Ltmp1, $4  }
0x12f: {  	[sflag:s28] =	ssyncset.done $0x0  }
0x130: {  	[sflag:s28] =	ssyncadd.s32 $0xFFFFC000  }
0x131: {  	_ =	swait.ge [sflag:s28], $0x2000  }
0x132: {  	[sflag:s28] =	ssyncset.done $0x0  }
.LBB2_2:
0x133: {  	[sflag:s28] =	ssyncadd.s32 $0xFFFFE000  }
0x134: {  	_ =	sfence.sel $0x180000  }
0x135: {  	[bflag:$0x0] =	sbarrier.arrive $0xFFFF  }
0x136: {  	p0 =	sne.s32 s3, $0x0;
	_ =	strace $0x90000047  }
0x137: {  	s0 =	sadd.s32 @!p0 $0x100000, s0;
	[bflag:$0x2] =	sbarrier.arrive $0xFFFF  }
0x138: {  	[sflag:s0] =	ssyncadd.tile.s32 @!p0 $0x1;
	_ =	shalt  }
.Lfunc_end2:
_tile_overlayer_lowered:
.L_overlay_start_2:
0x139: {  	(tag) =	ssettag $0x2  }
0x13a: {  	s0 =	rddreg [dreg:$0x0];
	s2 =	stileid.u32  }
0x13b: {  	s1 =	rddreg [dreg:$0x1];
	p0 =	sne.s32 s2, $0x0  }
0x13c: {  	s3 =	rddreg [dreg:$0x2];
	[bflag:$0x3] =	sbarrier.arrive $0xFFFF;
	s2 =	simm.s32 @!p0 $0x1C03  }
0x13d: {  	[timem:s3], [sflag:s2] =	dma.local @!p0 [hbm:s0], s1  }
0x13e: {  	s0 =	simm.s32 @!p0 $0x3  }
0x13f: {  	_ =	swait.ge @!p0 [sflag:s0], s1  }
0x140: {  	s1 =	ssub.s32 @!p0 $0x0, s1;
	[sflag:s0] =	ssyncset.done @!p0 $0x0  }
0x141: {  	[sflag:s0] =	ssyncadd.s32 @!p0 s1  }
0x142: {  	[bflag:$0x3] =	sbarrier.arrive $0xFFFF  }
0x143: {  	_ =	shalt  }

</sc_bundles>
